<compile_context>
chip_gen: v7x
topology: tpu7x:2x2x1
jax: 0.10.2.dev20260603
libtpu: 0.0.44.dev20260713+nightly
codegen_flags: <defaults>
</compile_context>

<pallas_src>
import dataclasses
import functools

import jax
import jax.numpy as jnp
from jax import lax
from jax.experimental import pallas as pl
from jax.experimental.pallas import tpu as pltpu
from jax.experimental.pallas import tpu_sc as plsc

N_NODES = 10000
N_EDGES = 320000
DIM = 128

NC = 2
NS = 16
NW = NC * NS
LANES = 16

N_PAD = 10240
CHUNK = 128
CH_PER_TILE = 80
E_TILE = CHUNK * CH_PER_TILE
E_PAD = E_TILE * NW

_vmesh = plsc.VectorSubcoreMesh(core_axis_name="c", subcore_axis_name="s")

_sc_params = pltpu.CompilerParams()
if "needs_layout_passes" in pltpu.CompilerParams.__dataclass_fields__:
    _sc_params = dataclasses.replace(_sc_params, needs_layout_passes=False)


def _deg_hist_kernel(dst_hbm, out_hbm, dst_v, hist_v, sem):
    wid = lax.axis_index("c") * NS + lax.axis_index("s")

    @pl.loop(0, N_PAD, step=LANES)
    def _zero(i):
        hist_v[pl.ds(i, LANES)] = jnp.zeros((LANES,), jnp.float32)

    pltpu.async_copy(
        dst_hbm.at[pl.ds(wid * CH_PER_TILE, CH_PER_TILE)], dst_v, sem).wait()

    ones = jnp.ones((LANES,), jnp.float32)

    @pl.loop(0, CH_PER_TILE)
    def _row(r):
        @pl.loop(0, CHUNK, step=LANES)
        def _col(c):
            idx = dst_v[r, pl.ds(c, LANES)]
            plsc.addupdate_scatter(hist_v, [idx], ones)

    pltpu.sync_copy(hist_v, out_hbm.at[wid])


def _deg_hist(dst2d):
    k = pl.kernel(
        _deg_hist_kernel,
        out_type=jax.ShapeDtypeStruct((NW, N_PAD), jnp.float32),
        mesh=_vmesh,
        scratch_types=[
            pltpu.VMEM((CH_PER_TILE, CHUNK), jnp.int32),
            pltpu.VMEM((N_PAD,), jnp.float32),
            pltpu.SemaphoreType.DMA,
        ],
        compiler_params=_sc_params,
    )
    return k(dst2d)


def _prep_kernel(x_ref, w_ref, parts_ref, y_ref, disb_ref):
    xw = jnp.dot(x_ref[...], w_ref[...], preferred_element_type=jnp.float32)
    deg = jnp.sum(parts_ref[...], axis=1, keepdims=True) + 1.0
    dis = lax.rsqrt(deg)
    y_ref[...] = xw * dis
    disb_ref[...] = jnp.broadcast_to(dis, xw.shape)


def _prep(x, w, parts_t):
    blk = 1000
    grid = N_NODES // blk
    return pl.pallas_call(
        _prep_kernel,
        grid=(grid,),
        in_specs=[
            pl.BlockSpec((blk, DIM), lambda i: (i, 0)),
            pl.BlockSpec((DIM, DIM), lambda i: (0, 0)),
            pl.BlockSpec((blk, NW), lambda i: (i, 0)),
        ],
        out_specs=[
            pl.BlockSpec((blk, DIM), lambda i: (i, 0)),
            pl.BlockSpec((blk, DIM), lambda i: (i, 0)),
        ],
        out_shape=[
            jax.ShapeDtypeStruct((N_NODES, DIM), jnp.float32),
            jax.ShapeDtypeStruct((N_NODES, DIM), jnp.float32),
        ],
    )(x, w, parts_t)


ROWS_PER_TILE = N_PAD // NS
HALF = CH_PER_TILE // 2


def _scatter_kernel(y_hbm, src_hbm, dst_hbm, zeros_hbm, out_hbm,
                    src_v, dst_v, buf0, buf1, acc_sh, s0, s1, sz):
    cid = lax.axis_index("c")
    sid = lax.axis_index("s")
    wid = cid * NS + sid
    base = wid * CH_PER_TILE

    pltpu.async_copy(
        zeros_hbm.at[pl.ds(sid * ROWS_PER_TILE, ROWS_PER_TILE)],
        acc_sh.at[pl.ds(sid * ROWS_PER_TILE, ROWS_PER_TILE)], sz).wait()
    plsc.subcore_barrier()

    for h in range(2):
        hb = base + h * HALF
        pltpu.async_copy(src_hbm.at[pl.ds(hb, HALF)], src_v, s0)
        pltpu.async_copy(dst_hbm.at[pl.ds(hb, HALF)], dst_v, s1)
        pltpu.make_async_copy(src_hbm.at[pl.ds(hb, HALF)], src_v, s0).wait()
        pltpu.make_async_copy(dst_hbm.at[pl.ds(hb, HALF)], dst_v, s1).wait()

        pltpu.async_copy(y_hbm.at[src_v.at[0]], buf0, s0)

        @pl.loop(0, HALF // 2)
        def _main(i):
            j0 = 2 * i
            pltpu.async_copy(y_hbm.at[src_v.at[j0 + 1]], buf1, s1)
            pltpu.make_async_copy(y_hbm.at[src_v.at[0]], buf0, s0).wait()
            pltpu.sync_copy(buf0, acc_sh.at[dst_v.at[j0]], add=True)
            nxt = jnp.minimum(j0 + 2, HALF - 1)
            pltpu.async_copy(y_hbm.at[src_v.at[nxt]], buf0, s0)
            pltpu.make_async_copy(y_hbm.at[src_v.at[0]], buf1, s1).wait()
            pltpu.sync_copy(buf1, acc_sh.at[dst_v.at[j0 + 1]], add=True)

        pltpu.make_async_copy(y_hbm.at[src_v.at[0]], buf0, s0).wait()

    plsc.subcore_barrier()
    pltpu.sync_copy(
        acc_sh.at[pl.ds(sid * ROWS_PER_TILE, ROWS_PER_TILE)],
        out_hbm.at[cid, pl.ds(sid * ROWS_PER_TILE, ROWS_PER_TILE)])


def _scatter(y, src2d, dst2d, zeros_hbm):
    k = pl.kernel(
        _scatter_kernel,
        out_type=jax.ShapeDtypeStruct((NC, N_PAD, DIM), jnp.float32),
        mesh=_vmesh,
        scratch_types=[
            pltpu.VMEM((HALF, CHUNK), jnp.int32),
            pltpu.VMEM((HALF, CHUNK), jnp.int32),
            pltpu.VMEM((CHUNK, DIM), jnp.float32),
            pltpu.VMEM((CHUNK, DIM), jnp.float32),
            pltpu.VMEM_SHARED((N_PAD, DIM), jnp.float32),
            pltpu.SemaphoreType.DMA,
            pltpu.SemaphoreType.DMA,
            pltpu.SemaphoreType.DMA,
        ],
        compiler_params=_sc_params,
    )
    return k(y, src2d, dst2d, zeros_hbm)


def _combine_kernel(a0_ref, a1_ref, y_ref, disb_ref, b_ref, o_ref):
    o_ref[...] = disb_ref[...] * (a0_ref[...] + a1_ref[...] + y_ref[...]) + b_ref[...]


def _combine(acc, y, disb, b2d):
    blk = 1000
    grid = N_NODES // blk
    row = pl.BlockSpec((blk, DIM), lambda i: (i, 0))
    return pl.pallas_call(
        _combine_kernel,
        grid=(grid,),
        in_specs=[row, row, row, row, pl.BlockSpec((1, DIM), lambda i: (0, 0))],
        out_specs=row,
        out_shape=jax.ShapeDtypeStruct((N_NODES, DIM), jnp.float32),
    )(acc[0], acc[1], y, disb, b2d)


@jax.jit
def kernel(x, edge_index, W, b):
    src = edge_index[0].astype(jnp.int32)
    dst = edge_index[1].astype(jnp.int32)
    n_fill = E_PAD - N_EDGES
    fill_dst = N_NODES + (jnp.arange(n_fill, dtype=jnp.int32) % (N_PAD - N_NODES))
    fill_src = jnp.arange(n_fill, dtype=jnp.int32) % N_NODES
    src2d = jnp.concatenate([src, fill_src]).reshape(NW * CH_PER_TILE, CHUNK)
    dst2d = jnp.concatenate([dst, fill_dst]).reshape(NW * CH_PER_TILE, CHUNK)

    parts = _deg_hist(dst2d)
    y, disb = _prep(x, W, parts.T[:N_NODES])
    acc = _scatter(y, src2d, dst2d, jnp.zeros((N_PAD, DIM), jnp.float32))
    out = _combine(acc, y, disb, b.reshape(1, DIM))
    return out

# --- scband reference (transcript-rebuilt; emitter-appended) ---
"""Pipeline reference for scband-gnn-31963146616857 (READ-ONLY COPY).

The authoritative reference and input builder live on the scoring server;
editing this copy changes nothing except your own understanding.
"""

import jax, jax.numpy as jnp
import numpy as np

N_NODES = 10000
N_EDGES = 320000
DIM_IN = 128
DIM_OUT = 128

def setup_inputs(seed: int = 0) -> dict:
    key = jax.random.key(seed)
    k1, k2, k3, k4 = jax.random.split(key, 4)
    x = jax.random.normal(k1, (N_NODES, DIM_IN), dtype=jnp.float32)
    edge_index = jax.random.randint(k2, (2, N_EDGES), 0, N_NODES, dtype=jnp.int64)
    # GCNConv learned params: linear weight (no bias in lin) + output bias
    W = jax.random.normal(k3, (DIM_IN, DIM_OUT), dtype=jnp.float32) * (1.0 / np.sqrt(DIM_IN))
    b = jnp.zeros((DIM_OUT,), dtype=jnp.float32)
    return {"x": x, "edge_index": edge_index, "W": W, "b": b}

def reference(x, edge_index, W, b):
    # Faithful GCNConv (PyG defaults: add_self_loops=True, normalize=True, bias=True)
    N = x.shape[0]
    src = edge_index[0]
    dst = edge_index[1]
    loop = jnp.arange(N, dtype=edge_index.dtype)
    src_full = jnp.concatenate([src, loop])
    dst_full = jnp.concatenate([dst, loop])
    # symmetric normalization: deg computed over target nodes
    deg = jnp.zeros((N,), dtype=x.dtype).at[dst_full].add(1.0)
    deg_inv_sqrt = jnp.where(deg > 0, 1.0 / jnp.sqrt(deg), 0.0)
    norm = deg_inv_sqrt[src_full] * deg_inv_sqrt[dst_full]
    # linear transform first
    xw = x @ W
    # gather messages from source nodes, scale, scatter-add to target nodes
    msg = jnp.take(xw, src_full, axis=0) * norm[:, None]
    out = jnp.zeros((N, W.shape[1]), dtype=x.dtype).at[dst_full].add(msg)
    return out + b

if __name__ == "__main__":
    import jax
    _d = setup_inputs()
    print(jax.jit(kernel)(*tuple(_d.values())))

</pallas_src>

<mosaic_0001>
#map = affine_map<(d0, d1) -> (0, 0)>
module attributes {stable_mosaic.version = 14 : i64} {
  func.func @_deg_hist_kernel(%arg0: i32, %arg1: i32, %arg2: memref<2560x128xi32, #tpu.memory_space<hbm>>, %arg3: memref<32x10240xf32, #tpu.memory_space<hbm>>, %arg4: memref<80x128xi32, #tpu.memory_space<vmem>>, %arg5: memref<10240xf32, #tpu.memory_space<vmem>>, %arg6: memref<!tpu.dma_semaphore, #tpu.memory_space<semaphore_mem>>) attributes {dimension_semantics = [#tpu.dimension_semantics<core_parallel>, #tpu.dimension_semantics<subcore_parallel>], iteration_bounds = array<i64: 2, 16>, scalar_prefetch = 0 : i64, scratch_operands = 3 : i64, tpu.core_type = #tpu.core_type<sc_vector_subcore>, window_params = [{transform_indices = #map}, {transform_indices = #map}]} {
    %mul3A = arith.constant 16 : i32
    %mul3A_0 = arith.muli %arg0, %mul3A : i32
    %add3A = arith.addi %mul3A_0, %arg1 : i32
    %scan3A = arith.constant 0 : i32
    %scan3A_1 = arith.constant 640 : i32
    %scan3A_2 = arith.addi %scan3A, %scan3A_1 : i32
    %scan3A_3 = arith.constant 1 : i32
    scf.for %scan3A_19 = %scan3A to %scan3A_2 step %scan3A_3  : i32 {
      %mul3A_20 = arith.constant 16 : i32
      %mul3A_21 = arith.muli %scan3A_19, %mul3A_20 : i32
      %add3A_22 = arith.constant 0 : i32
      %add3A_23 = arith.addi %add3A_22, %mul3A_21 : i32
      %broadcast_in_dim3A_24 = arith.constant 0.000000e+00 : f32
      %broadcast_in_dim3A_25 = vector.broadcast %broadcast_in_dim3A_24 : f32 to vector<16xf32>
      %swap3A = arith.index_cast %add3A_23 : i32 to index
      %swap3A_26 = tpu.vector_load %arg5[%swap3A] {strides = array<i32>} : memref<10240xf32, #tpu.memory_space<vmem>>, vector<16xf32>,
      tpu.vector_store %arg5[%swap3A], %broadcast_in_dim3A_25 {strides = array<i32>} : memref<10240xf32, #tpu.memory_space<vmem>>, vector<16xf32>,
    }
    %scan3A_4 = arith.constant 640 : i32
    %mul3A_5 = arith.constant 80 : i32
    %mul3A_6 = arith.muli %add3A, %mul3A_5 : i32
    %dma_start3A = arith.constant 0 : i32
    %dma_start3A_7 = tpu.memref_slice %arg2[%mul3A_6, %dma_start3A] : memref<2560x128xi32, #tpu.memory_space<hbm>> -> memref<80x128xi32, #tpu.memory_space<hbm>>
    %dma_start3A_8 = arith.constant 0 : i32
    %dma_start3A_9 = tpu.memref_slice %arg2[%mul3A_6, %dma_start3A_8] : memref<2560x128xi32, #tpu.memory_space<hbm>> -> memref<80x128xi32, #tpu.memory_space<hbm>>
    tpu.enqueue_dma source(%dma_start3A_9 : memref<80x128xi32, #tpu.memory_space<hbm>>) target(%arg4 : memref<80x128xi32, #tpu.memory_space<vmem>>) target_semaphore(%arg6 : memref<!tpu.dma_semaphore, #tpu.memory_space<semaphore_mem>>)
    %dma_wait3A = arith.constant 0 : i32
    %dma_wait3A_10 = tpu.memref_slice %arg2[%mul3A_6, %dma_wait3A] : memref<2560x128xi32, #tpu.memory_space<hbm>> -> memref<80x128xi32, #tpu.memory_space<hbm>>
    %dma_wait3A_11 = arith.constant 0 : i32
    %dma_wait3A_12 = tpu.memref_slice %arg2[%mul3A_6, %dma_wait3A_11] : memref<2560x128xi32, #tpu.memory_space<hbm>> -> memref<80x128xi32, #tpu.memory_space<hbm>>
    tpu.wait_dma2 semaphore(%arg6 : memref<!tpu.dma_semaphore, #tpu.memory_space<semaphore_mem>>) src(%dma_wait3A_12 : memref<80x128xi32, #tpu.memory_space<hbm>>) dst(%arg4 : memref<80x128xi32, #tpu.memory_space<vmem>>)
    %broadcast_in_dim3A = arith.constant 1.000000e+00 : f32
    %broadcast_in_dim3A_13 = vector.broadcast %broadcast_in_dim3A : f32 to vector<16xf32>
    %scan3A_14 = arith.constant 0 : i32
    %scan3A_15 = arith.constant 80 : i32
    %scan3A_16 = arith.addi %scan3A_14, %scan3A_15 : i32
    %scan3A_17 = arith.constant 1 : i32
    scf.for %scan3A_19 = %scan3A_14 to %scan3A_16 step %scan3A_17  : i32 {
      %mul3A_20 = arith.constant 1 : i32
      %mul3A_21 = arith.muli %scan3A_19, %mul3A_20 : i32
      %add3A_22 = arith.constant 0 : i32
      %add3A_23 = arith.addi %add3A_22, %mul3A_21 : i32
      %scan3A_24 = arith.constant 0 : i32
      %scan3A_25 = arith.constant 8 : i32
      %scan3A_26 = arith.addi %scan3A_24, %scan3A_25 : i32
      %scan3A_27 = arith.constant 1 : i32
      scf.for %scan3A_29 = %scan3A_24 to %scan3A_26 step %scan3A_27  : i32 {
        %mul3A_30 = arith.constant 16 : i32
        %mul3A_31 = arith.muli %scan3A_29, %mul3A_30 : i32
        %add3A_32 = arith.constant 0 : i32
        %add3A_33 = arith.addi %add3A_32, %mul3A_31 : i32
        %get3A = arith.index_cast %add3A_23 : i32 to index
        %get3A_34 = arith.index_cast %add3A_33 : i32 to index
        %get3A_35 = tpu.vector_load %arg4[%get3A, %get3A_34] {strides = array<i32>} : memref<80x128xi32, #tpu.memory_space<vmem>>, vector<16xi32>,
        tpu.vector_store_idx %arg5[%get3A_35], %broadcast_in_dim3A_13 {add = true} : memref<10240xf32, #tpu.memory_space<vmem>>[vector<16xi32>], vector<16xf32>,
      }
      %scan3A_28 = arith.constant 8 : i32
    }
    %scan3A_18 = arith.constant 80 : i32
    "tpu.region"() ({
      %run_scoped3A = tpu.sem_alloc : memref<!tpu.dma_semaphore, #tpu.memory_space<semaphore_mem>>
      %dma_start3A_19 = arith.constant 0 : i32
      %dma_start3A_20 = tpu.memref_slice %arg3[%add3A, %dma_start3A_19] : memref<32x10240xf32, #tpu.memory_space<hbm>> -> memref<1x10240xf32, #tpu.memory_space<hbm>>
      %dma_start3A_21 = tpu.memref_squeeze %dma_start3A_20 : memref<1x10240xf32, #tpu.memory_space<hbm>> -> memref<10240xf32, #tpu.memory_space<hbm>>
      %dma_start3A_22 = arith.constant 0 : i32
      %dma_start3A_23 = tpu.memref_slice %arg3[%add3A, %dma_start3A_22] : memref<32x10240xf32, #tpu.memory_space<hbm>> -> memref<1x10240xf32, #tpu.memory_space<hbm>>
      %dma_start3A_24 = tpu.memref_squeeze %dma_start3A_23 : memref<1x10240xf32, #tpu.memory_space<hbm>> -> memref<10240xf32, #tpu.memory_space<hbm>>
      tpu.enqueue_dma source(%arg5 : memref<10240xf32, #tpu.memory_space<vmem>>) target(%dma_start3A_24 : memref<10240xf32, #tpu.memory_space<hbm>>) target_semaphore(%run_scoped3A : memref<!tpu.dma_semaphore, #tpu.memory_space<semaphore_mem>>)
      %dma_wait3A_25 = arith.constant 0 : i32
      %dma_wait3A_26 = tpu.memref_slice %arg3[%add3A, %dma_wait3A_25] : memref<32x10240xf32, #tpu.memory_space<hbm>> -> memref<1x10240xf32, #tpu.memory_space<hbm>>
      %dma_wait3A_27 = tpu.memref_squeeze %dma_wait3A_26 : memref<1x10240xf32, #tpu.memory_space<hbm>> -> memref<10240xf32, #tpu.memory_space<hbm>>
      %dma_wait3A_28 = arith.constant 0 : i32
      %dma_wait3A_29 = tpu.memref_slice %arg3[%add3A, %dma_wait3A_28] : memref<32x10240xf32, #tpu.memory_space<hbm>> -> memref<1x10240xf32, #tpu.memory_space<hbm>>
      %dma_wait3A_30 = tpu.memref_squeeze %dma_wait3A_29 : memref<1x10240xf32, #tpu.memory_space<hbm>> -> memref<10240xf32, #tpu.memory_space<hbm>>
      tpu.wait_dma2 semaphore(%run_scoped3A : memref<!tpu.dma_semaphore, #tpu.memory_space<semaphore_mem>>) src(%arg5 : memref<10240xf32, #tpu.memory_space<vmem>>) dst(%dma_wait3A_30 : memref<10240xf32, #tpu.memory_space<hbm>>)
      tpu.yield
    }) : () -> ()
    return
  }
}

#map = affine_map<(d0, d1) -> (0, 0)>
#map1 = affine_map<(d0, d1) -> (0, 0, 0)>
module attributes {stable_mosaic.version = 14 : i64} {
  func.func @_scatter_kernel(%arg0: i32, %arg1: i32, %arg2: memref<10000x128xf32, #tpu.memory_space<hbm>>, %arg3: memref<2560x128xi32, #tpu.memory_space<hbm>>, %arg4: memref<2560x128xi32, #tpu.memory_space<hbm>>, %arg5: memref<10240x128xf32, #tpu.memory_space<hbm>>, %arg6: memref<2x10240x128xf32, #tpu.memory_space<hbm>>, %arg7: memref<40x128xi32, #tpu.memory_space<vmem>>, %arg8: memref<40x128xi32, #tpu.memory_space<vmem>>, %arg9: memref<128x128xf32, #tpu.memory_space<vmem>>, %arg10: memref<128x128xf32, #tpu.memory_space<vmem>>, %arg11: memref<10240x128xf32, #tpu.memory_space<vmem_shared>>, %arg12: memref<!tpu.dma_semaphore, #tpu.memory_space<semaphore_mem>>, %arg13: memref<!tpu.dma_semaphore, #tpu.memory_space<semaphore_mem>>, %arg14: memref<!tpu.dma_semaphore, #tpu.memory_space<semaphore_mem>>) attributes {dimension_semantics = [#tpu.dimension_semantics<core_parallel>, #tpu.dimension_semantics<subcore_parallel>], iteration_bounds = array<i64: 2, 16>, scalar_prefetch = 0 : i64, scratch_operands = 8 : i64, tpu.core_type = #tpu.core_type<sc_vector_subcore>, window_params = [{transform_indices = #map}, {transform_indices = #map}, {transform_indices = #map}, {transform_indices = #map}, {transform_indices = #map1}]} {
    %mul3A = arith.constant 16 : i32
    %mul3A_0 = arith.muli %arg0, %mul3A : i32
    %add3A = arith.addi %mul3A_0, %arg1 : i32
    %mul3A_1 = arith.constant 80 : i32
    %mul3A_2 = arith.muli %add3A, %mul3A_1 : i32
    %mul3A_3 = arith.constant 640 : i32
    %mul3A_4 = arith.muli %arg1, %mul3A_3 : i32
    %mul3A_5 = arith.constant 640 : i32
    %mul3A_6 = arith.muli %arg1, %mul3A_5 : i32
    %dma_start3A = arith.constant 0 : i32
    %dma_start3A_7 = tpu.memref_slice %arg11[%mul3A_6, %dma_start3A] : memref<10240x128xf32, #tpu.memory_space<vmem_shared>> -> memref<640x128xf32, #tpu.memory_space<vmem_shared>>
    %dma_start3A_8 = arith.constant 0 : i32
    %dma_start3A_9 = tpu.memref_slice %arg5[%mul3A_4, %dma_start3A_8] : memref<10240x128xf32, #tpu.memory_space<hbm>> -> memref<640x128xf32, #tpu.memory_space<hbm>>
    tpu.enqueue_dma source(%dma_start3A_9 : memref<640x128xf32, #tpu.memory_space<hbm>>) target(%dma_start3A_7 : memref<640x128xf32, #tpu.memory_space<vmem_shared>>) target_semaphore(%arg14 : memref<!tpu.dma_semaphore, #tpu.memory_space<semaphore_mem>>)
    %dma_wait3A = arith.constant 0 : i32
    %dma_wait3A_10 = tpu.memref_slice %arg11[%mul3A_6, %dma_wait3A] : memref<10240x128xf32, #tpu.memory_space<vmem_shared>> -> memref<640x128xf32, #tpu.memory_space<vmem_shared>>
    %dma_wait3A_11 = arith.constant 0 : i32
    %dma_wait3A_12 = tpu.memref_slice %arg5[%mul3A_4, %dma_wait3A_11] : memref<10240x128xf32, #tpu.memory_space<hbm>> -> memref<640x128xf32, #tpu.memory_space<hbm>>
    tpu.wait_dma2 semaphore(%arg14 : memref<!tpu.dma_semaphore, #tpu.memory_space<semaphore_mem>>) src(%dma_wait3A_12 : memref<640x128xf32, #tpu.memory_space<hbm>>) dst(%dma_wait3A_10 : memref<640x128xf32, #tpu.memory_space<vmem_shared>>)
    %barrier3A = arith.constant 0 : index
    tpu.barrier barrier_id(%barrier3A)
    %add3A_13 = arith.constant 0 : i32
    %add3A_14 = arith.addi %mul3A_2, %add3A_13 : i32
    %dma_start3A_15 = arith.constant 0 : i32
    %dma_start3A_16 = tpu.memref_slice %arg3[%add3A_14, %dma_start3A_15] : memref<2560x128xi32, #tpu.memory_space<hbm>> -> memref<40x128xi32, #tpu.memory_space<hbm>>
    %dma_start3A_17 = arith.constant 0 : i32
    %dma_start3A_18 = tpu.memref_slice %arg3[%add3A_14, %dma_start3A_17] : memref<2560x128xi32, #tpu.memory_space<hbm>> -> memref<40x128xi32, #tpu.memory_space<hbm>>
    tpu.enqueue_dma source(%dma_start3A_18 : memref<40x128xi32, #tpu.memory_space<hbm>>) target(%arg7 : memref<40x128xi32, #tpu.memory_space<vmem>>) target_semaphore(%arg12 : memref<!tpu.dma_semaphore, #tpu.memory_space<semaphore_mem>>)
    %dma_start3A_19 = arith.constant 0 : i32
    %dma_start3A_20 = tpu.memref_slice %arg4[%add3A_14, %dma_start3A_19] : memref<2560x128xi32, #tpu.memory_space<hbm>> -> memref<40x128xi32, #tpu.memory_space<hbm>>
    %dma_start3A_21 = arith.constant 0 : i32
    %dma_start3A_22 = tpu.memref_slice %arg4[%add3A_14, %dma_start3A_21] : memref<2560x128xi32, #tpu.memory_space<hbm>> -> memref<40x128xi32, #tpu.memory_space<hbm>>
    tpu.enqueue_dma source(%dma_start3A_22 : memref<40x128xi32, #tpu.memory_space<hbm>>) target(%arg8 : memref<40x128xi32, #tpu.memory_space<vmem>>) target_semaphore(%arg13 : memref<!tpu.dma_semaphore, #tpu.memory_space<semaphore_mem>>)
    %dma_wait3A_23 = arith.constant 0 : i32
    %dma_wait3A_24 = tpu.memref_slice %arg3[%add3A_14, %dma_wait3A_23] : memref<2560x128xi32, #tpu.memory_space<hbm>> -> memref<40x128xi32, #tpu.memory_space<hbm>>
    %dma_wait3A_25 = arith.constant 0 : i32
    %dma_wait3A_26 = tpu.memref_slice %arg3[%add3A_14, %dma_wait3A_25] : memref<2560x128xi32, #tpu.memory_space<hbm>> -> memref<40x128xi32, #tpu.memory_space<hbm>>
    tpu.wait_dma2 semaphore(%arg12 : memref<!tpu.dma_semaphore, #tpu.memory_space<semaphore_mem>>) src(%dma_wait3A_26 : memref<40x128xi32, #tpu.memory_space<hbm>>) dst(%arg7 : memref<40x128xi32, #tpu.memory_space<vmem>>)
    %dma_wait3A_27 = arith.constant 0 : i32
    %dma_wait3A_28 = tpu.memref_slice %arg4[%add3A_14, %dma_wait3A_27] : memref<2560x128xi32, #tpu.memory_space<hbm>> -> memref<40x128xi32, #tpu.memory_space<hbm>>
    %dma_wait3A_29 = arith.constant 0 : i32
    %dma_wait3A_30 = tpu.memref_slice %arg4[%add3A_14, %dma_wait3A_29] : memref<2560x128xi32, #tpu.memory_space<hbm>> -> memref<40x128xi32, #tpu.memory_space<hbm>>
    tpu.wait_dma2 semaphore(%arg13 : memref<!tpu.dma_semaphore, #tpu.memory_space<semaphore_mem>>) src(%dma_wait3A_30 : memref<40x128xi32, #tpu.memory_space<hbm>>) dst(%arg8 : memref<40x128xi32, #tpu.memory_space<vmem>>)
    %dma_start3A_31 = arith.constant 0 : i32
    %dma_start3A_32 = arith.constant 0 : i32
    %dma_start3A_33 = tpu.memref_slice %arg7[%dma_start3A_31, %dma_start3A_32] : memref<40x128xi32, #tpu.memory_space<vmem>> -> memref<1x128xi32, #tpu.memory_space<vmem>>
    %dma_start3A_34 = tpu.memref_squeeze %dma_start3A_33 : memref<1x128xi32, #tpu.memory_space<vmem>> -> memref<128xi32, #tpu.memory_space<vmem>>
    %dma_start3A_35 = arith.constant 0 : i32
    %dma_start3A_36 = arith.constant 0 : i32
    %dma_start3A_37 = tpu.memref_slice %arg2[%dma_start3A_35, %dma_start3A_36] : memref<10000x128xf32, #tpu.memory_space<hbm>> -> memref<10000x128xf32, #tpu.memory_space<hbm>>
    tpu.enqueue_indirect_dma source(%dma_start3A_37 : memref<10000x128xf32, #tpu.memory_space<hbm>>) target(%arg9 : memref<128x128xf32, #tpu.memory_space<vmem>>) offsets(%dma_start3A_34 : memref<128xi32, #tpu.memory_space<vmem>>) semaphore(%arg12 : memref<!tpu.dma_semaphore, #tpu.memory_space<semaphore_mem>>)
    %scan3A = arith.constant 0 : i32
    %scan3A_38 = arith.constant 20 : i32
    %scan3A_39 = arith.addi %scan3A, %scan3A_38 : i32
    %scan3A_40 = arith.constant 1 : i32
    scf.for %scan3A_91 = %scan3A to %scan3A_39 step %scan3A_40  : i32 {
      %mul3A_92 = arith.constant 1 : i32
      %mul3A_93 = arith.muli %scan3A_91, %mul3A_92 : i32
      %add3A_94 = arith.constant 0 : i32
      %add3A_95 = arith.addi %add3A_94, %mul3A_93 : i32
      %mul3A_96 = arith.constant 2 : i32
      %mul3A_97 = arith.muli %mul3A_96, %add3A_95 : i32
      %add3A_98 = arith.constant 1 : i32
      %add3A_99 = arith.addi %mul3A_97, %add3A_98 : i32
      %dma_start3A_100 = arith.constant 0 : i32
      %dma_start3A_101 = tpu.memref_slice %arg7[%add3A_99, %dma_start3A_100] : memref<40x128xi32, #tpu.memory_space<vmem>> -> memref<1x128xi32, #tpu.memory_space<vmem>>
      %dma_start3A_102 = tpu.memref_squeeze %dma_start3A_101 : memref<1x128xi32, #tpu.memory_space<vmem>> -> memref<128xi32, #tpu.memory_space<vmem>>
      %dma_start3A_103 = arith.constant 0 : i32
      %dma_start3A_104 = arith.constant 0 : i32
      %dma_start3A_105 = tpu.memref_slice %arg2[%dma_start3A_103, %dma_start3A_104] : memref<10000x128xf32, #tpu.memory_space<hbm>> -> memref<10000x128xf32, #tpu.memory_space<hbm>>
      tpu.enqueue_indirect_dma source(%dma_start3A_105 : memref<10000x128xf32, #tpu.memory_space<hbm>>) target(%arg10 : memref<128x128xf32, #tpu.memory_space<vmem>>) offsets(%dma_start3A_102 : memref<128xi32, #tpu.memory_space<vmem>>) semaphore(%arg13 : memref<!tpu.dma_semaphore, #tpu.memory_space<semaphore_mem>>)
      %dma_wait3A_106 = arith.constant 0 : i32
      %dma_wait3A_107 = arith.constant 0 : i32
      %dma_wait3A_108 = tpu.memref_slice %arg7[%dma_wait3A_106, %dma_wait3A_107] : memref<40x128xi32, #tpu.memory_space<vmem>> -> memref<1x128xi32, #tpu.memory_space<vmem>>
      %dma_wait3A_109 = tpu.memref_squeeze %dma_wait3A_108 : memref<1x128xi32, #tpu.memory_space<vmem>> -> memref<128xi32, #tpu.memory_space<vmem>>
      %dma_wait3A_110 = arith.constant 0 : i32
      %dma_wait3A_111 = arith.constant 0 : i32
      %dma_wait3A_112 = tpu.memref_slice %arg2[%dma_wait3A_110, %dma_wait3A_111] : memref<10000x128xf32, #tpu.memory_space<hbm>> -> memref<10000x128xf32, #tpu.memory_space<hbm>>
      tpu.wait_indirect_dma semaphore(%arg12 : memref<!tpu.dma_semaphore, #tpu.memory_space<semaphore_mem>>) src(%dma_wait3A_112 : memref<10000x128xf32, #tpu.memory_space<hbm>>) dst(%arg9 : memref<128x128xf32, #tpu.memory_space<vmem>>)
      "tpu.region"() ({
        %run_scoped3A = tpu.sem_alloc : memref<!tpu.dma_semaphore, #tpu.memory_space<semaphore_mem>>
        %dma_start3A_131 = arith.constant 0 : i32
        %dma_start3A_132 = tpu.memref_slice %arg8[%mul3A_97, %dma_start3A_131] : memref<40x128xi32, #tpu.memory_space<vmem>> -> memref<1x128xi32, #tpu.memory_space<vmem>>
        %dma_start3A_133 = tpu.memref_squeeze %dma_start3A_132 : memref<1x128xi32, #tpu.memory_space<vmem>> -> memref<128xi32, #tpu.memory_space<vmem>>
        %dma_start3A_134 = arith.constant 0 : i32
        %dma_start3A_135 = arith.constant 0 : i32
        %dma_start3A_136 = tpu.memref_slice %arg11[%dma_start3A_134, %dma_start3A_135] : memref<10240x128xf32, #tpu.memory_space<vmem_shared>> -> memref<10240x128xf32, #tpu.memory_space<vmem_shared>>
        tpu.enqueue_indirect_dma source(%arg9 : memref<128x128xf32, #tpu.memory_space<vmem>>) target(%dma_start3A_136 : memref<10240x128xf32, #tpu.memory_space<vmem_shared>>) offsets(%dma_start3A_133 : memref<128xi32, #tpu.memory_space<vmem>>) semaphore(%run_scoped3A : memref<!tpu.dma_semaphore, #tpu.memory_space<semaphore_mem>>) {add = true}
        %dma_wait3A_137 = arith.constant 0 : i32
        %dma_wait3A_138 = tpu.memref_slice %arg8[%mul3A_97, %dma_wait3A_137] : memref<40x128xi32, #tpu.memory_space<vmem>> -> memref<1x128xi32, #tpu.memory_space<vmem>>
        %dma_wait3A_139 = tpu.memref_squeeze %dma_wait3A_138 : memref<1x128xi32, #tpu.memory_space<vmem>> -> memref<128xi32, #tpu.memory_space<vmem>>
        %dma_wait3A_140 = arith.constant 0 : i32
        %dma_wait3A_141 = arith.constant 0 : i32
        %dma_wait3A_142 = tpu.memref_slice %arg11[%dma_wait3A_140, %dma_wait3A_141] : memref<10240x128xf32, #tpu.memory_space<vmem_shared>> -> memref<10240x128xf32, #tpu.memory_space<vmem_shared>>
        tpu.wait_indirect_dma semaphore(%run_scoped3A : memref<!tpu.dma_semaphore, #tpu.memory_space<semaphore_mem>>) src(%arg9 : memref<128x128xf32, #tpu.memory_space<vmem>>) dst(%dma_wait3A_142 : memref<10240x128xf32, #tpu.memory_space<vmem_shared>>)
        tpu.yield
      }) : () -> ()
      %add3A_113 = arith.constant 2 : i32
      %add3A_114 = arith.addi %mul3A_97, %add3A_113 : i32
      %min3A = arith.constant 39 : i32
      %min3A_115 = arith.minsi %add3A_114, %min3A : i32
      %dma_start3A_116 = arith.constant 0 : i32
      %dma_start3A_117 = tpu.memref_slice %arg7[%min3A_115, %dma_start3A_116] : memref<40x128xi32, #tpu.memory_space<vmem>> -> memref<1x128xi32, #tpu.memory_space<vmem>>
      %dma_start3A_118 = tpu.memref_squeeze %dma_start3A_117 : memref<1x128xi32, #tpu.memory_space<vmem>> -> memref<128xi32, #tpu.memory_space<vmem>>
      %dma_start3A_119 = arith.constant 0 : i32
      %dma_start3A_120 = arith.constant 0 : i32
      %dma_start3A_121 = tpu.memref_slice %arg2[%dma_start3A_119, %dma_start3A_120] : memref<10000x128xf32, #tpu.memory_space<hbm>> -> memref<10000x128xf32, #tpu.memory_space<hbm>>
      tpu.enqueue_indirect_dma source(%dma_start3A_121 : memref<10000x128xf32, #tpu.memory_space<hbm>>) target(%arg9 : memref<128x128xf32, #tpu.memory_space<vmem>>) offsets(%dma_start3A_118 : memref<128xi32, #tpu.memory_space<vmem>>) semaphore(%arg12 : memref<!tpu.dma_semaphore, #tpu.memory_space<semaphore_mem>>)
      %dma_wait3A_122 = arith.constant 0 : i32
      %dma_wait3A_123 = arith.constant 0 : i32
      %dma_wait3A_124 = tpu.memref_slice %arg7[%dma_wait3A_122, %dma_wait3A_123] : memref<40x128xi32, #tpu.memory_space<vmem>> -> memref<1x128xi32, #tpu.memory_space<vmem>>
      %dma_wait3A_125 = tpu.memref_squeeze %dma_wait3A_124 : memref<1x128xi32, #tpu.memory_space<vmem>> -> memref<128xi32, #tpu.memory_space<vmem>>
      %dma_wait3A_126 = arith.constant 0 : i32
      %dma_wait3A_127 = arith.constant 0 : i32
      %dma_wait3A_128 = tpu.memref_slice %arg2[%dma_wait3A_126, %dma_wait3A_127] : memref<10000x128xf32, #tpu.memory_space<hbm>> -> memref<10000x128xf32, #tpu.memory_space<hbm>>
      tpu.wait_indirect_dma semaphore(%arg13 : memref<!tpu.dma_semaphore, #tpu.memory_space<semaphore_mem>>) src(%dma_wait3A_128 : memref<10000x128xf32, #tpu.memory_space<hbm>>) dst(%arg10 : memref<128x128xf32, #tpu.memory_space<vmem>>)
      %add3A_129 = arith.constant 1 : i32
      %add3A_130 = arith.addi %mul3A_97, %add3A_129 : i32
      "tpu.region"() ({
        %run_scoped3A = tpu.sem_alloc : memref<!tpu.dma_semaphore, #tpu.memory_space<semaphore_mem>>
        %dma_start3A_131 = arith.constant 0 : i32
        %dma_start3A_132 = tpu.memref_slice %arg8[%add3A_130, %dma_start3A_131] : memref<40x128xi32, #tpu.memory_space<vmem>> -> memref<1x128xi32, #tpu.memory_space<vmem>>
        %dma_start3A_133 = tpu.memref_squeeze %dma_start3A_132 : memref<1x128xi32, #tpu.memory_space<vmem>> -> memref<128xi32, #tpu.memory_space<vmem>>
        %dma_start3A_134 = arith.constant 0 : i32
        %dma_start3A_135 = arith.constant 0 : i32
        %dma_start3A_136 = tpu.memref_slice %arg11[%dma_start3A_134, %dma_start3A_135] : memref<10240x128xf32, #tpu.memory_space<vmem_shared>> -> memref<10240x128xf32, #tpu.memory_space<vmem_shared>>
        tpu.enqueue_indirect_dma source(%arg10 : memref<128x128xf32, #tpu.memory_space<vmem>>) target(%dma_start3A_136 : memref<10240x128xf32, #tpu.memory_space<vmem_shared>>) offsets(%dma_start3A_133 : memref<128xi32, #tpu.memory_space<vmem>>) semaphore(%run_scoped3A : memref<!tpu.dma_semaphore, #tpu.memory_space<semaphore_mem>>) {add = true}
        %dma_wait3A_137 = arith.constant 0 : i32
        %dma_wait3A_138 = tpu.memref_slice %arg8[%add3A_130, %dma_wait3A_137] : memref<40x128xi32, #tpu.memory_space<vmem>> -> memref<1x128xi32, #tpu.memory_space<vmem>>
        %dma_wait3A_139 = tpu.memref_squeeze %dma_wait3A_138 : memref<1x128xi32, #tpu.memory_space<vmem>> -> memref<128xi32, #tpu.memory_space<vmem>>
        %dma_wait3A_140 = arith.constant 0 : i32
        %dma_wait3A_141 = arith.constant 0 : i32
        %dma_wait3A_142 = tpu.memref_slice %arg11[%dma_wait3A_140, %dma_wait3A_141] : memref<10240x128xf32, #tpu.memory_space<vmem_shared>> -> memref<10240x128xf32, #tpu.memory_space<vmem_shared>>
        tpu.wait_indirect_dma semaphore(%run_scoped3A : memref<!tpu.dma_semaphore, #tpu.memory_space<semaphore_mem>>) src(%arg10 : memref<128x128xf32, #tpu.memory_space<vmem>>) dst(%dma_wait3A_142 : memref<10240x128xf32, #tpu.memory_space<vmem_shared>>)
        tpu.yield
      }) : () -> ()
    }
    %scan3A_41 = arith.constant 20 : i32
    %dma_wait3A_42 = arith.constant 0 : i32
    %dma_wait3A_43 = arith.constant 0 : i32
    %dma_wait3A_44 = tpu.memref_slice %arg7[%dma_wait3A_42, %dma_wait3A_43] : memref<40x128xi32, #tpu.memory_space<vmem>> -> memref<1x128xi32, #tpu.memory_space<vmem>>
    %dma_wait3A_45 = tpu.memref_squeeze %dma_wait3A_44 : memref<1x128xi32, #tpu.memory_space<vmem>> -> memref<128xi32, #tpu.memory_space<vmem>>
    %dma_wait3A_46 = arith.constant 0 : i32
    %dma_wait3A_47 = arith.constant 0 : i32
    %dma_wait3A_48 = tpu.memref_slice %arg2[%dma_wait3A_46, %dma_wait3A_47] : memref<10000x128xf32, #tpu.memory_space<hbm>> -> memref<10000x128xf32, #tpu.memory_space<hbm>>
    tpu.wait_indirect_dma semaphore(%arg12 : memref<!tpu.dma_semaphore, #tpu.memory_space<semaphore_mem>>) src(%dma_wait3A_48 : memref<10000x128xf32, #tpu.memory_space<hbm>>) dst(%arg9 : memref<128x128xf32, #tpu.memory_space<vmem>>)
    %add3A_49 = arith.constant 40 : i32
    %add3A_50 = arith.addi %mul3A_2, %add3A_49 : i32
    %dma_start3A_51 = arith.constant 0 : i32
    %dma_start3A_52 = tpu.memref_slice %arg3[%add3A_50, %dma_start3A_51] : memref<2560x128xi32, #tpu.memory_space<hbm>> -> memref<40x128xi32, #tpu.memory_space<hbm>>
    %dma_start3A_53 = arith.constant 0 : i32
    %dma_start3A_54 = tpu.memref_slice %arg3[%add3A_50, %dma_start3A_53] : memref<2560x128xi32, #tpu.memory_space<hbm>> -> memref<40x128xi32, #tpu.memory_space<hbm>>
    tpu.enqueue_dma source(%dma_start3A_54 : memref<40x128xi32, #tpu.memory_space<hbm>>) target(%arg7 : memref<40x128xi32, #tpu.memory_space<vmem>>) target_semaphore(%arg12 : memref<!tpu.dma_semaphore, #tpu.memory_space<semaphore_mem>>)
    %dma_start3A_55 = arith.constant 0 : i32
    %dma_start3A_56 = tpu.memref_slice %arg4[%add3A_50, %dma_start3A_55] : memref<2560x128xi32, #tpu.memory_space<hbm>> -> memref<40x128xi32, #tpu.memory_space<hbm>>
    %dma_start3A_57 = arith.constant 0 : i32
    %dma_start3A_58 = tpu.memref_slice %arg4[%add3A_50, %dma_start3A_57] : memref<2560x128xi32, #tpu.memory_space<hbm>> -> memref<40x128xi32, #tpu.memory_space<hbm>>
    tpu.enqueue_dma source(%dma_start3A_58 : memref<40x128xi32, #tpu.memory_space<hbm>>) target(%arg8 : memref<40x128xi32, #tpu.memory_space<vmem>>) target_semaphore(%arg13 : memref<!tpu.dma_semaphore, #tpu.memory_space<semaphore_mem>>)
    %dma_wait3A_59 = arith.constant 0 : i32
    %dma_wait3A_60 = tpu.memref_slice %arg3[%add3A_50, %dma_wait3A_59] : memref<2560x128xi32, #tpu.memory_space<hbm>> -> memref<40x128xi32, #tpu.memory_space<hbm>>
    %dma_wait3A_61 = arith.constant 0 : i32
    %dma_wait3A_62 = tpu.memref_slice %arg3[%add3A_50, %dma_wait3A_61] : memref<2560x128xi32, #tpu.memory_space<hbm>> -> memref<40x128xi32, #tpu.memory_space<hbm>>
    tpu.wait_dma2 semaphore(%arg12 : memref<!tpu.dma_semaphore, #tpu.memory_space<semaphore_mem>>) src(%dma_wait3A_62 : memref<40x128xi32, #tpu.memory_space<hbm>>) dst(%arg7 : memref<40x128xi32, #tpu.memory_space<vmem>>)
    %dma_wait3A_63 = arith.constant 0 : i32
    %dma_wait3A_64 = tpu.memref_slice %arg4[%add3A_50, %dma_wait3A_63] : memref<2560x128xi32, #tpu.memory_space<hbm>> -> memref<40x128xi32, #tpu.memory_space<hbm>>
    %dma_wait3A_65 = arith.constant 0 : i32
    %dma_wait3A_66 = tpu.memref_slice %arg4[%add3A_50, %dma_wait3A_65] : memref<2560x128xi32, #tpu.memory_space<hbm>> -> memref<40x128xi32, #tpu.memory_space<hbm>>
    tpu.wait_dma2 semaphore(%arg13 : memref<!tpu.dma_semaphore, #tpu.memory_space<semaphore_mem>>) src(%dma_wait3A_66 : memref<40x128xi32, #tpu.memory_space<hbm>>) dst(%arg8 : memref<40x128xi32, #tpu.memory_space<vmem>>)
    %dma_start3A_67 = arith.constant 0 : i32
    %dma_start3A_68 = arith.constant 0 : i32
    %dma_start3A_69 = tpu.memref_slice %arg7[%dma_start3A_67, %dma_start3A_68] : memref<40x128xi32, #tpu.memory_space<vmem>> -> memref<1x128xi32, #tpu.memory_space<vmem>>
    %dma_start3A_70 = tpu.memref_squeeze %dma_start3A_69 : memref<1x128xi32, #tpu.memory_space<vmem>> -> memref<128xi32, #tpu.memory_space<vmem>>
    %dma_start3A_71 = arith.constant 0 : i32
    %dma_start3A_72 = arith.constant 0 : i32
    %dma_start3A_73 = tpu.memref_slice %arg2[%dma_start3A_71, %dma_start3A_72] : memref<10000x128xf32, #tpu.memory_space<hbm>> -> memref<10000x128xf32, #tpu.memory_space<hbm>>
    tpu.enqueue_indirect_dma source(%dma_start3A_73 : memref<10000x128xf32, #tpu.memory_space<hbm>>) target(%arg9 : memref<128x128xf32, #tpu.memory_space<vmem>>) offsets(%dma_start3A_70 : memref<128xi32, #tpu.memory_space<vmem>>) semaphore(%arg12 : memref<!tpu.dma_semaphore, #tpu.memory_space<semaphore_mem>>)
    %scan3A_74 = arith.constant 0 : i32
    %scan3A_75 = arith.constant 20 : i32
    %scan3A_76 = arith.addi %scan3A_74, %scan3A_75 : i32
    %scan3A_77 = arith.constant 1 : i32
    scf.for %scan3A_91 = %scan3A_74 to %scan3A_76 step %scan3A_77  : i32 {
      %mul3A_92 = arith.constant 1 : i32
      %mul3A_93 = arith.muli %scan3A_91, %mul3A_92 : i32
      %add3A_94 = arith.constant 0 : i32
      %add3A_95 = arith.addi %add3A_94, %mul3A_93 : i32
      %mul3A_96 = arith.constant 2 : i32
      %mul3A_97 = arith.muli %mul3A_96, %add3A_95 : i32
      %add3A_98 = arith.constant 1 : i32
      %add3A_99 = arith.addi %mul3A_97, %add3A_98 : i32
      %dma_start3A_100 = arith.constant 0 : i32
      %dma_start3A_101 = tpu.memref_slice %arg7[%add3A_99, %dma_start3A_100] : memref<40x128xi32, #tpu.memory_space<vmem>> -> memref<1x128xi32, #tpu.memory_space<vmem>>
      %dma_start3A_102 = tpu.memref_squeeze %dma_start3A_101 : memref<1x128xi32, #tpu.memory_space<vmem>> -> memref<128xi32, #tpu.memory_space<vmem>>
      %dma_start3A_103 = arith.constant 0 : i32
      %dma_start3A_104 = arith.constant 0 : i32
      %dma_start3A_105 = tpu.memref_slice %arg2[%dma_start3A_103, %dma_start3A_104] : memref<10000x128xf32, #tpu.memory_space<hbm>> -> memref<10000x128xf32, #tpu.memory_space<hbm>>
      tpu.enqueue_indirect_dma source(%dma_start3A_105 : memref<10000x128xf32, #tpu.memory_space<hbm>>) target(%arg10 : memref<128x128xf32, #tpu.memory_space<vmem>>) offsets(%dma_start3A_102 : memref<128xi32, #tpu.memory_space<vmem>>) semaphore(%arg13 : memref<!tpu.dma_semaphore, #tpu.memory_space<semaphore_mem>>)
      %dma_wait3A_106 = arith.constant 0 : i32
      %dma_wait3A_107 = arith.constant 0 : i32
      %dma_wait3A_108 = tpu.memref_slice %arg7[%dma_wait3A_106, %dma_wait3A_107] : memref<40x128xi32, #tpu.memory_space<vmem>> -> memref<1x128xi32, #tpu.memory_space<vmem>>
      %dma_wait3A_109 = tpu.memref_squeeze %dma_wait3A_108 : memref<1x128xi32, #tpu.memory_space<vmem>> -> memref<128xi32, #tpu.memory_space<vmem>>
      %dma_wait3A_110 = arith.constant 0 : i32
      %dma_wait3A_111 = arith.constant 0 : i32
      %dma_wait3A_112 = tpu.memref_slice %arg2[%dma_wait3A_110, %dma_wait3A_111] : memref<10000x128xf32, #tpu.memory_space<hbm>> -> memref<10000x128xf32, #tpu.memory_space<hbm>>
      tpu.wait_indirect_dma semaphore(%arg12 : memref<!tpu.dma_semaphore, #tpu.memory_space<semaphore_mem>>) src(%dma_wait3A_112 : memref<10000x128xf32, #tpu.memory_space<hbm>>) dst(%arg9 : memref<128x128xf32, #tpu.memory_space<vmem>>)
      "tpu.region"() ({
        %run_scoped3A = tpu.sem_alloc : memref<!tpu.dma_semaphore, #tpu.memory_space<semaphore_mem>>
        %dma_start3A_131 = arith.constant 0 : i32
        %dma_start3A_132 = tpu.memref_slice %arg8[%mul3A_97, %dma_start3A_131] : memref<40x128xi32, #tpu.memory_space<vmem>> -> memref<1x128xi32, #tpu.memory_space<vmem>>
        %dma_start3A_133 = tpu.memref_squeeze %dma_start3A_132 : memref<1x128xi32, #tpu.memory_space<vmem>> -> memref<128xi32, #tpu.memory_space<vmem>>
        %dma_start3A_134 = arith.constant 0 : i32
        %dma_start3A_135 = arith.constant 0 : i32
        %dma_start3A_136 = tpu.memref_slice %arg11[%dma_start3A_134, %dma_start3A_135] : memref<10240x128xf32, #tpu.memory_space<vmem_shared>> -> memref<10240x128xf32, #tpu.memory_space<vmem_shared>>
        tpu.enqueue_indirect_dma source(%arg9 : memref<128x128xf32, #tpu.memory_space<vmem>>) target(%dma_start3A_136 : memref<10240x128xf32, #tpu.memory_space<vmem_shared>>) offsets(%dma_start3A_133 : memref<128xi32, #tpu.memory_space<vmem>>) semaphore(%run_scoped3A : memref<!tpu.dma_semaphore, #tpu.memory_space<semaphore_mem>>) {add = true}
        %dma_wait3A_137 = arith.constant 0 : i32
        %dma_wait3A_138 = tpu.memref_slice %arg8[%mul3A_97, %dma_wait3A_137] : memref<40x128xi32, #tpu.memory_space<vmem>> -> memref<1x128xi32, #tpu.memory_space<vmem>>
        %dma_wait3A_139 = tpu.memref_squeeze %dma_wait3A_138 : memref<1x128xi32, #tpu.memory_space<vmem>> -> memref<128xi32, #tpu.memory_space<vmem>>
        %dma_wait3A_140 = arith.constant 0 : i32
        %dma_wait3A_141 = arith.constant 0 : i32
        %dma_wait3A_142 = tpu.memref_slice %arg11[%dma_wait3A_140, %dma_wait3A_141] : memref<10240x128xf32, #tpu.memory_space<vmem_shared>> -> memref<10240x128xf32, #tpu.memory_space<vmem_shared>>
        tpu.wait_indirect_dma semaphore(%run_scoped3A : memref<!tpu.dma_semaphore, #tpu.memory_space<semaphore_mem>>) src(%arg9 : memref<128x128xf32, #tpu.memory_space<vmem>>) dst(%dma_wait3A_142 : memref<10240x128xf32, #tpu.memory_space<vmem_shared>>)
        tpu.yield
      }) : () -> ()
      %add3A_113 = arith.constant 2 : i32
      %add3A_114 = arith.addi %mul3A_97, %add3A_113 : i32
      %min3A = arith.constant 39 : i32
      %min3A_115 = arith.minsi %add3A_114, %min3A : i32
      %dma_start3A_116 = arith.constant 0 : i32
      %dma_start3A_117 = tpu.memref_slice %arg7[%min3A_115, %dma_start3A_116] : memref<40x128xi32, #tpu.memory_space<vmem>> -> memref<1x128xi32, #tpu.memory_space<vmem>>
      %dma_start3A_118 = tpu.memref_squeeze %dma_start3A_117 : memref<1x128xi32, #tpu.memory_space<vmem>> -> memref<128xi32, #tpu.memory_space<vmem>>
      %dma_start3A_119 = arith.constant 0 : i32
      %dma_start3A_120 = arith.constant 0 : i32
      %dma_start3A_121 = tpu.memref_slice %arg2[%dma_start3A_119, %dma_start3A_120] : memref<10000x128xf32, #tpu.memory_space<hbm>> -> memref<10000x128xf32, #tpu.memory_space<hbm>>
      tpu.enqueue_indirect_dma source(%dma_start3A_121 : memref<10000x128xf32, #tpu.memory_space<hbm>>) target(%arg9 : memref<128x128xf32, #tpu.memory_space<vmem>>) offsets(%dma_start3A_118 : memref<128xi32, #tpu.memory_space<vmem>>) semaphore(%arg12 : memref<!tpu.dma_semaphore, #tpu.memory_space<semaphore_mem>>)
      %dma_wait3A_122 = arith.constant 0 : i32
      %dma_wait3A_123 = arith.constant 0 : i32
      %dma_wait3A_124 = tpu.memref_slice %arg7[%dma_wait3A_122, %dma_wait3A_123] : memref<40x128xi32, #tpu.memory_space<vmem>> -> memref<1x128xi32, #tpu.memory_space<vmem>>
      %dma_wait3A_125 = tpu.memref_squeeze %dma_wait3A_124 : memref<1x128xi32, #tpu.memory_space<vmem>> -> memref<128xi32, #tpu.memory_space<vmem>>
      %dma_wait3A_126 = arith.constant 0 : i32
      %dma_wait3A_127 = arith.constant 0 : i32
      %dma_wait3A_128 = tpu.memref_slice %arg2[%dma_wait3A_126, %dma_wait3A_127] : memref<10000x128xf32, #tpu.memory_space<hbm>> -> memref<10000x128xf32, #tpu.memory_space<hbm>>
      tpu.wait_indirect_dma semaphore(%arg13 : memref<!tpu.dma_semaphore, #tpu.memory_space<semaphore_mem>>) src(%dma_wait3A_128 : memref<10000x128xf32, #tpu.memory_space<hbm>>) dst(%arg10 : memref<128x128xf32, #tpu.memory_space<vmem>>)
      %add3A_129 = arith.constant 1 : i32
      %add3A_130 = arith.addi %mul3A_97, %add3A_129 : i32
      "tpu.region"() ({
        %run_scoped3A = tpu.sem_alloc : memref<!tpu.dma_semaphore, #tpu.memory_space<semaphore_mem>>
        %dma_start3A_131 = arith.constant 0 : i32
        %dma_start3A_132 = tpu.memref_slice %arg8[%add3A_130, %dma_start3A_131] : memref<40x128xi32, #tpu.memory_space<vmem>> -> memref<1x128xi32, #tpu.memory_space<vmem>>
        %dma_start3A_133 = tpu.memref_squeeze %dma_start3A_132 : memref<1x128xi32, #tpu.memory_space<vmem>> -> memref<128xi32, #tpu.memory_space<vmem>>
        %dma_start3A_134 = arith.constant 0 : i32
        %dma_start3A_135 = arith.constant 0 : i32
        %dma_start3A_136 = tpu.memref_slice %arg11[%dma_start3A_134, %dma_start3A_135] : memref<10240x128xf32, #tpu.memory_space<vmem_shared>> -> memref<10240x128xf32, #tpu.memory_space<vmem_shared>>
        tpu.enqueue_indirect_dma source(%arg10 : memref<128x128xf32, #tpu.memory_space<vmem>>) target(%dma_start3A_136 : memref<10240x128xf32, #tpu.memory_space<vmem_shared>>) offsets(%dma_start3A_133 : memref<128xi32, #tpu.memory_space<vmem>>) semaphore(%run_scoped3A : memref<!tpu.dma_semaphore, #tpu.memory_space<semaphore_mem>>) {add = true}
        %dma_wait3A_137 = arith.constant 0 : i32
        %dma_wait3A_138 = tpu.memref_slice %arg8[%add3A_130, %dma_wait3A_137] : memref<40x128xi32, #tpu.memory_space<vmem>> -> memref<1x128xi32, #tpu.memory_space<vmem>>
        %dma_wait3A_139 = tpu.memref_squeeze %dma_wait3A_138 : memref<1x128xi32, #tpu.memory_space<vmem>> -> memref<128xi32, #tpu.memory_space<vmem>>
        %dma_wait3A_140 = arith.constant 0 : i32
        %dma_wait3A_141 = arith.constant 0 : i32
        %dma_wait3A_142 = tpu.memref_slice %arg11[%dma_wait3A_140, %dma_wait3A_141] : memref<10240x128xf32, #tpu.memory_space<vmem_shared>> -> memref<10240x128xf32, #tpu.memory_space<vmem_shared>>
        tpu.wait_indirect_dma semaphore(%run_scoped3A : memref<!tpu.dma_semaphore, #tpu.memory_space<semaphore_mem>>) src(%arg10 : memref<128x128xf32, #tpu.memory_space<vmem>>) dst(%dma_wait3A_142 : memref<10240x128xf32, #tpu.memory_space<vmem_shared>>)
        tpu.yield
      }) : () -> ()
    }
    %scan3A_78 = arith.constant 20 : i32
    %dma_wait3A_79 = arith.constant 0 : i32
    %dma_wait3A_80 = arith.constant 0 : i32
    %dma_wait3A_81 = tpu.memref_slice %arg7[%dma_wait3A_79, %dma_wait3A_80] : memref<40x128xi32, #tpu.memory_space<vmem>> -> memref<1x128xi32, #tpu.memory_space<vmem>>
    %dma_wait3A_82 = tpu.memref_squeeze %dma_wait3A_81 : memref<1x128xi32, #tpu.memory_space<vmem>> -> memref<128xi32, #tpu.memory_space<vmem>>
    %dma_wait3A_83 = arith.constant 0 : i32
    %dma_wait3A_84 = arith.constant 0 : i32
    %dma_wait3A_85 = tpu.memref_slice %arg2[%dma_wait3A_83, %dma_wait3A_84] : memref<10000x128xf32, #tpu.memory_space<hbm>> -> memref<10000x128xf32, #tpu.memory_space<hbm>>
    tpu.wait_indirect_dma semaphore(%arg12 : memref<!tpu.dma_semaphore, #tpu.memory_space<semaphore_mem>>) src(%dma_wait3A_85 : memref<10000x128xf32, #tpu.memory_space<hbm>>) dst(%arg9 : memref<128x128xf32, #tpu.memory_space<vmem>>)
    %barrier3A_86 = arith.constant 0 : index
    tpu.barrier barrier_id(%barrier3A_86)
    %mul3A_87 = arith.constant 640 : i32
    %mul3A_88 = arith.muli %arg1, %mul3A_87 : i32
    %mul3A_89 = arith.constant 640 : i32
    %mul3A_90 = arith.muli %arg1, %mul3A_89 : i32
    "tpu.region"() ({
      %run_scoped3A = tpu.sem_alloc : memref<!tpu.dma_semaphore, #tpu.memory_space<semaphore_mem>>
      %dma_start3A_91 = arith.constant 0 : i32
      %dma_start3A_92 = tpu.memref_slice %arg6[%arg0, %mul3A_90, %dma_start3A_91] : memref<2x10240x128xf32, #tpu.memory_space<hbm>> -> memref<1x640x128xf32, #tpu.memory_space<hbm>>
      %dma_start3A_93 = tpu.memref_squeeze %dma_start3A_92 : memref<1x640x128xf32, #tpu.memory_space<hbm>> -> memref<640x128xf32, #tpu.memory_space<hbm>>
      %dma_start3A_94 = arith.constant 0 : i32
      %dma_start3A_95 = tpu.memref_slice %arg11[%mul3A_88, %dma_start3A_94] : memref<10240x128xf32, #tpu.memory_space<vmem_shared>> -> memref<640x128xf32, #tpu.memory_space<vmem_shared>>
      tpu.enqueue_dma source(%dma_start3A_95 : memref<640x128xf32, #tpu.memory_space<vmem_shared>>) target(%dma_start3A_93 : memref<640x128xf32, #tpu.memory_space<hbm>>) target_semaphore(%run_scoped3A : memref<!tpu.dma_semaphore, #tpu.memory_space<semaphore_mem>>)
      %dma_wait3A_96 = arith.constant 0 : i32
      %dma_wait3A_97 = tpu.memref_slice %arg6[%arg0, %mul3A_90, %dma_wait3A_96] : memref<2x10240x128xf32, #tpu.memory_space<hbm>> -> memref<1x640x128xf32, #tpu.memory_space<hbm>>
      %dma_wait3A_98 = tpu.memref_squeeze %dma_wait3A_97 : memref<1x640x128xf32, #tpu.memory_space<hbm>> -> memref<640x128xf32, #tpu.memory_space<hbm>>
      %dma_wait3A_99 = arith.constant 0 : i32
      %dma_wait3A_100 = tpu.memref_slice %arg11[%mul3A_88, %dma_wait3A_99] : memref<10240x128xf32, #tpu.memory_space<vmem_shared>> -> memref<640x128xf32, #tpu.memory_space<vmem_shared>>
      tpu.wait_dma2 semaphore(%run_scoped3A : memref<!tpu.dma_semaphore, #tpu.memory_space<semaphore_mem>>) src(%dma_wait3A_100 : memref<640x128xf32, #tpu.memory_space<vmem_shared>>) dst(%dma_wait3A_98 : memref<640x128xf32, #tpu.memory_space<hbm>>)
      tpu.yield
    }) : () -> ()
    return
  }
}

module attributes {stable_mosaic.version = 14 : i64} {
  func.func @_prep_kernel(%arg0: i32, %arg1: memref<1000x128xf32, #tpu.memory_space<vmem>>, %arg2: memref<128x128xf32, #tpu.memory_space<vmem>>, %arg3: memref<1000x32xf32, #tpu.memory_space<vmem>>, %arg4: memref<1000x128xf32, #tpu.memory_space<vmem>>, %arg5: memref<1000x128xf32, #tpu.memory_space<vmem>>) attributes {dimension_semantics = [#tpu.dimension_semantics<arbitrary>], iteration_bounds = array<i64: 10>, scalar_prefetch = 0 : i64, scratch_operands = 0 : i64, tpu.core_type = #tpu.core_type<tc>, window_params = [{transform_indices = @transform_0, window_bounds = array<i64: 1000, 128>}, {pipeline_mode = #tpu.pipeline_mode<synchronous>, transform_indices = @transform_1, window_bounds = array<i64: 128, 128>}, {transform_indices = @transform_2, window_bounds = array<i64: 1000, 32>}, {transform_indices = @transform_3, window_bounds = array<i64: 1000, 128>}, {transform_indices = @transform_4, window_bounds = array<i64: 1000, 128>}]} {
    %get3A = arith.constant 0 : index
    %get3A_0 = arith.constant 0 : index
    %get3A_1 = vector.load %arg1[%get3A, %get3A_0] : memref<1000x128xf32, #tpu.memory_space<vmem>>, vector<1000x128xf32>
    %get3A_2 = arith.constant 0 : index
    %get3A_3 = arith.constant 0 : index
    %get3A_4 = vector.load %arg2[%get3A_2, %get3A_3] : memref<128x128xf32, #tpu.memory_space<vmem>>, vector<128x128xf32>
    %dot_general3A = arith.constant dense<0.000000e+00> : vector<1000x128xf32>
    %dot_general3A_5 = tpu.matmul %get3A_1, %get3A_4, %dot_general3A {dimension_numbers = #tpu.dot_dimension_numbers<[1], [0], [0], [1], [0, 0, 1, 1], [], []>, transpose_lhs_hint = false} : vector<1000x128xf32>, vector<128x128xf32>, vector<1000x128xf32> -> vector<1000x128xf32>
    %get3A_6 = arith.constant 0 : index
    %get3A_7 = arith.constant 0 : index
    %get3A_8 = vector.load %arg3[%get3A_6, %get3A_7] : memref<1000x32xf32, #tpu.memory_space<vmem>>, vector<1000x32xf32>
    %reduce_sum3A = arith.constant dense<0.000000e+00> : vector<1000xf32>
    %reduce_sum3A_9 = vector.multi_reduction <add>, %get3A_8, %reduce_sum3A [1] : vector<1000x32xf32> to vector<1000xf32>
    %broadcast_in_dim3A = vector.shape_cast %reduce_sum3A_9 : vector<1000xf32> to vector<1000x1xf32>
    %add3A = arith.constant 1.000000e+00 : f32
    %add3A_10 = vector.broadcast %add3A : f32 to vector<1000x1xf32>
    %add3A_11 = arith.addf %broadcast_in_dim3A, %add3A_10 : vector<1000x1xf32>
    %rsqrt3A = math.rsqrt %add3A_11 : vector<1000x1xf32>
    %mul3A = vector.broadcast %rsqrt3A : vector<1000x1xf32> to vector<1000x128xf32>
    %mul3A_12 = arith.mulf %dot_general3A_5, %mul3A : vector<1000x128xf32>
    %swap3A = arith.constant 0 : index
    %swap3A_13 = arith.constant 0 : index
    %swap3A_14 = vector.load %arg4[%swap3A, %swap3A_13] : memref<1000x128xf32, #tpu.memory_space<vmem>>, vector<1000x128xf32>
    tpu.vector_store %arg4[%swap3A, %swap3A_13], %mul3A_12 {strides = array<i32>} : memref<1000x128xf32, #tpu.memory_space<vmem>>, vector<1000x128xf32>,
    %broadcast_in_dim3A_15 = vector.shape_cast %rsqrt3A : vector<1000x1xf32> to vector<1000x1xf32>
    %broadcast_in_dim3A_16 = vector.broadcast %broadcast_in_dim3A_15 : vector<1000x1xf32> to vector<1000x128xf32>
    %swap3A_17 = arith.constant 0 : index
    %swap3A_18 = arith.constant 0 : index
    %swap3A_19 = vector.load %arg5[%swap3A_17, %swap3A_18] : memref<1000x128xf32, #tpu.memory_space<vmem>>, vector<1000x128xf32>
    tpu.vector_store %arg5[%swap3A_17, %swap3A_18], %broadcast_in_dim3A_16 {strides = array<i32>} : memref<1000x128xf32, #tpu.memory_space<vmem>>, vector<1000x128xf32>,
    return
  }
  func.func @transform_0(%arg0: i32) -> (i32, i32) {
    %c0_i32 = arith.constant 0 : i32
    %c0_i32_0 = arith.constant 0 : i32
    return %arg0, %c0_i32 : i32, i32
  }
  func.func @transform_1(%arg0: i32) -> (i32, i32) {
    %c0_i32 = arith.constant 0 : i32
    %c0_i32_0 = arith.constant 0 : i32
    %c0_i32_1 = arith.constant 0 : i32
    return %c0_i32, %c0_i32_0 : i32, i32
  }
  func.func @transform_2(%arg0: i32) -> (i32, i32) {
    %c0_i32 = arith.constant 0 : i32
    %c0_i32_0 = arith.constant 0 : i32
    return %arg0, %c0_i32 : i32, i32
  }
  func.func @transform_3(%arg0: i32) -> (i32, i32) {
    %c0_i32 = arith.constant 0 : i32
    %c0_i32_0 = arith.constant 0 : i32
    return %arg0, %c0_i32 : i32, i32
  }
  func.func @transform_4(%arg0: i32) -> (i32, i32) {
    %c0_i32 = arith.constant 0 : i32
    %c0_i32_0 = arith.constant 0 : i32
    return %arg0, %c0_i32 : i32, i32
  }
}

module attributes {stable_mosaic.version = 14 : i64} {
  func.func @_combine_kernel(%arg0: i32, %arg1: memref<1000x128xf32, #tpu.memory_space<vmem>>, %arg2: memref<1000x128xf32, #tpu.memory_space<vmem>>, %arg3: memref<1000x128xf32, #tpu.memory_space<vmem>>, %arg4: memref<1000x128xf32, #tpu.memory_space<vmem>>, %arg5: memref<1x128xf32, #tpu.memory_space<vmem>>, %arg6: memref<1000x128xf32, #tpu.memory_space<vmem>>) attributes {dimension_semantics = [#tpu.dimension_semantics<arbitrary>], iteration_bounds = array<i64: 10>, scalar_prefetch = 0 : i64, scratch_operands = 0 : i64, tpu.core_type = #tpu.core_type<tc>, window_params = [{transform_indices = @transform_0, window_bounds = array<i64: 1000, 128>}, {transform_indices = @transform_1, window_bounds = array<i64: 1000, 128>}, {transform_indices = @transform_2, window_bounds = array<i64: 1000, 128>}, {transform_indices = @transform_3, window_bounds = array<i64: 1000, 128>}, {pipeline_mode = #tpu.pipeline_mode<synchronous>, transform_indices = @transform_4, window_bounds = array<i64: 1, 128>}, {transform_indices = @transform_5, window_bounds = array<i64: 1000, 128>}]} {
    %get3A = arith.constant 0 : index
    %get3A_0 = arith.constant 0 : index
    %get3A_1 = vector.load %arg4[%get3A, %get3A_0] : memref<1000x128xf32, #tpu.memory_space<vmem>>, vector<1000x128xf32>
    %get3A_2 = arith.constant 0 : index
    %get3A_3 = arith.constant 0 : index
    %get3A_4 = vector.load %arg1[%get3A_2, %get3A_3] : memref<1000x128xf32, #tpu.memory_space<vmem>>, vector<1000x128xf32>
    %get3A_5 = arith.constant 0 : index
    %get3A_6 = arith.constant 0 : index
    %get3A_7 = vector.load %arg2[%get3A_5, %get3A_6] : memref<1000x128xf32, #tpu.memory_space<vmem>>, vector<1000x128xf32>
    %add3A = arith.addf %get3A_4, %get3A_7 : vector<1000x128xf32>
    %get3A_8 = arith.constant 0 : index
    %get3A_9 = arith.constant 0 : index
    %get3A_10 = vector.load %arg3[%get3A_8, %get3A_9] : memref<1000x128xf32, #tpu.memory_space<vmem>>, vector<1000x128xf32>
    %add3A_11 = arith.addf %add3A, %get3A_10 : vector<1000x128xf32>
    %mul3A = arith.mulf %get3A_1, %add3A_11 : vector<1000x128xf32>
    %get3A_12 = arith.constant 0 : index
    %get3A_13 = arith.constant 0 : index
    %get3A_14 = vector.load %arg5[%get3A_12, %get3A_13] : memref<1x128xf32, #tpu.memory_space<vmem>>, vector<1x128xf32>
    %add3A_15 = vector.broadcast %get3A_14 : vector<1x128xf32> to vector<1000x128xf32>
    %add3A_16 = arith.addf %mul3A, %add3A_15 : vector<1000x128xf32>
    %swap3A = arith.constant 0 : index
    %swap3A_17 = arith.constant 0 : index
    %swap3A_18 = vector.load %arg6[%swap3A, %swap3A_17] : memref<1000x128xf32, #tpu.memory_space<vmem>>, vector<1000x128xf32>
    tpu.vector_store %arg6[%swap3A, %swap3A_17], %add3A_16 {strides = array<i32>} : memref<1000x128xf32, #tpu.memory_space<vmem>>, vector<1000x128xf32>,
    return
  }
  func.func @transform_0(%arg0: i32) -> (i32, i32) {
    %c0_i32 = arith.constant 0 : i32
    %c0_i32_0 = arith.constant 0 : i32
    return %arg0, %c0_i32 : i32, i32
  }
  func.func @transform_1(%arg0: i32) -> (i32, i32) {
    %c0_i32 = arith.constant 0 : i32
    %c0_i32_0 = arith.constant 0 : i32
    return %arg0, %c0_i32 : i32, i32
  }
  func.func @transform_2(%arg0: i32) -> (i32, i32) {
    %c0_i32 = arith.constant 0 : i32
    %c0_i32_0 = arith.constant 0 : i32
    return %arg0, %c0_i32 : i32, i32
  }
  func.func @transform_3(%arg0: i32) -> (i32, i32) {
    %c0_i32 = arith.constant 0 : i32
    %c0_i32_0 = arith.constant 0 : i32
    return %arg0, %c0_i32 : i32, i32
  }
  func.func @transform_4(%arg0: i32) -> (i32, i32) {
    %c0_i32 = arith.constant 0 : i32
    %c0_i32_0 = arith.constant 0 : i32
    %c0_i32_1 = arith.constant 0 : i32
    return %c0_i32, %c0_i32_0 : i32, i32
  }
  func.func @transform_5(%arg0: i32) -> (i32, i32) {
    %c0_i32 = arith.constant 0 : i32
    %c0_i32_0 = arith.constant 0 : i32
    return %arg0, %c0_i32 : i32, i32
  }
}

</mosaic_0001>

<sc_bundles>
// kernel: kernel.6.cloned.1.call-start
scs
__scs_entry_jumppad:
0x0: {  	(pc) =	sbr.rel $0x88, $3  }
0x1: {  	(tag) =	ssettag $0x0;
	lr =	simm.s32 $0x1  }
0x2: {  	[smem:$0x3F9D] =	sst lr;
	_ =	strace $0xD0000000  }
0x3: {  	_ = 	snop  }
0x4: {  	_ = 	snop  }
0x5: {  	_ = 	snop  }
0x6: {  	_ = 	snop  }
0x7: {  	_ = 	snop  }
__scs_overlays_trampoline_lowered:
0x8: {  	[smem:$0x3FAC] =	sst s0  }
0x9: {  	[smem:$0x3FAD] =	sst s1  }
0xa: {  	[smem:$0x3FAE] =	sst s2  }
0xb: {  	[smem:$0x3FAF] =	sst s3  }
0xc: {  	[smem:$0x3FB0] =	sst s4  }
0xd: {  	[smem:$0x3FB1] =	sst s5  }
0xe: {  	[smem:$0x3FB2] =	sst s6  }
0xf: {  	[smem:$0x3FB3] =	sst s7  }
0x10: {  	[smem:$0x3FB4] =	sst s8  }
0x11: {  	[smem:$0x3FB5] =	sst s9;
	s0 =	simm.s32 @!p0 $0x0  }
0x12: {  	s1 =	sld [smem:$0x3F9B];
	s0 =	simm.s32 @p0 $0x1  }
0x13: {  	[smem:$0x3FB6] =	sst s0;
	s0 =	simm.s32 @!p1 $0x0  }
0x14: {  	s2 =	sld [smem:$0x3F9A];
	s0 =	simm.s32 @p1 $0x1  }
0x15: {  	[smem:$0x3FB7] =	sst s0;
	s0 =	simm.s32 @!p2 $0x0  }
0x16: {  	s3 =	sld [smem:$0x3FDB];
	s0 =	simm.s32 @p2 $0x1  }
0x17: {  	s4 =	simm.s32 $0x1BF5;
	[smem:$0x3FB9] =	sst s0  }
0x18: {  	s0 =	sld [smem:$0x3F9C];
	_ =	swait.ge [sflag:s4], $0x0  }
0x19: {  	s7 =	sld [smem:$0x3F9D]  }
0x1a: {  	s8 =	sadd.s32 $0xFFFFE003, lr  }
0x1b: {  	s9 =	sadd.s32 $0xFFFFFEF7, lr;
	s5 =	simm.s32 $0xFFFFFFFF;
	p2 =	slt.u32 s8, $0xFFFFF086  }
0x1c: {  	p1 =	slt.u32 s9, $0xF7A;
	s5 =	simm.s32 @!p2 $0x0  }
0x1d: {  	s5 =	simm.s32 @p1 $0x1;
	p0 =	seq.s32 s7, s2  }
0x1e: {  	s7 =	smul.u32 @!p0 $0xF7A, s2;
	p2 =	seq.s32 @!p0 s5, $0x0  }
0x1f: {  	s9 =	smul.u32 $0xF7A, s1;
	s8 =	simm.s32 @!p0 $0x1BF5;
	p2 =	por !p2, p0  }
0x20: {  	[sflag:s8] =	ssyncset.s32 @!p0 $0xFFFFF086;
	s6 =	sadd.s32 @!p0 s3, s7;
	s7 =	simm.s32 @!p0 $0x108  }
0x21: {  	s3 =	sadd.s32 s3, s9;
	s6 =	sadd.s32 @!p0 $0x88, s6;
	s7 =	simm.s32 @p2 $0x1082  }
0x22: {  	[simem:s7], [sflag:s8] =	dma.local @!p0 [hbm:s6], $0xF7A  }
0x23: {  	s9 =	sor.u32 $0xD0000000, s2;
	s6 =	simm.s32 $0x108;
	_ =	swait.ge @!p0 [sflag:s8], $0x0  }
0x24: {  	s3 =	sadd.s32 $0x88, s3;
	s6 =	simm.s32 @!p1 $0x1082;
	[sflag:s4] =	ssyncset.s32 $0xFFFFF086  }
0x25: {  	[simem:s6], [sflag:s4] =	dma.local [hbm:s3], $0xF7A  }
0x26: {  	[smem:$0x3F9D] =	sst s1;
	(tag) =	ssettag s2;
	_ =	strace s9  }
0x27: {  	s1 =	sld [smem:$0x3FAD]  }
0x28: {  	s2 =	sld [smem:$0x3FAE]  }
0x29: {  	s4 =	sld [smem:$0x3FB0]  }
0x2a: {  	p0 =	seq.s32 s5, $0x0;
	s5 =	sld [smem:$0x3FB1]  }
0x2b: {  	s6 =	sld [smem:$0x3FB2]  }
0x2c: {  	s7 =	sld [smem:$0x3FB3]  }
0x2d: {  	s3 =	simm.s32 $0x108;
	s8 =	sld [smem:$0x3FB4]  }
0x2e: {  	s3 =	simm.s32 @!p0 $0x1082;
	s9 =	sld [smem:$0x3FB5]  }
0x2f: {  	lr =	sadd.s32 s0, s3;
	s0 =	sld [smem:$0x3FAC]  }
0x30: {  	s3 =	sld [smem:$0x3FAF]  }
0x31: {  	[smem:$0x3FB8] =	sst s10  }
0x32: {  	s10 =	sld [smem:$0x3FB6];
	_ =	sdelay $0x3  }
0x33: {  	p0 =	seq.s32 s10, $0x1;
	s10 =	sld [smem:$0x3FB8];
	_ =	sdelay $0x3  }
0x34: {  	[smem:$0x3FB8] =	sst s10  }
0x35: {  	s10 =	sld [smem:$0x3FB7];
	_ =	sdelay $0x3  }
0x36: {  	p1 =	seq.s32 s10, $0x1;
	s10 =	sld [smem:$0x3FB8];
	_ =	sdelay $0x3  }
0x37: {  	[smem:$0x3FB8] =	sst s10  }
0x38: {  	s10 =	sld [smem:$0x3FB9]  }
0x39: {  	_ = 	snop;
	(pc) =	sbr.ind lr, $3  }
0x3a: {  	_ = 	snop  }
0x3b: {  	_ = 	snop  }
0x3c: {  	p2 =	seq.s32 s10, $0x1;
	s10 =	sld [smem:$0x3FB8]  }
0x3d: {  	_ =	shalt  }
0x3e: {  	_ =	shalt  }
0x3f: {  	_ =	shalt  }
0x40: {  	_ =	shalt  }
0x41: {  	_ =	shalt  }
0x42: {  	_ =	shalt  }
0x43: {  	_ =	shalt  }
0x44: {  	_ =	shalt  }
0x45: {  	_ =	shalt  }
0x46: {  	_ =	shalt  }
0x47: {  	_ =	shalt  }
0x48: {  	_ =	shalt  }
0x49: {  	_ =	shalt  }
0x4a: {  	_ =	shalt  }
0x4b: {  	_ =	shalt  }
0x4c: {  	_ =	shalt  }
0x4d: {  	_ =	shalt  }
0x4e: {  	_ =	shalt  }
0x4f: {  	_ =	shalt  }
0x50: {  	_ =	shalt  }
0x51: {  	_ =	shalt  }
0x52: {  	_ =	shalt  }
0x53: {  	_ =	shalt  }
0x54: {  	_ =	shalt  }
0x55: {  	_ =	shalt  }
0x56: {  	_ =	shalt  }
0x57: {  	_ =	shalt  }
0x58: {  	_ =	shalt  }
0x59: {  	_ =	shalt  }
0x5a: {  	_ =	shalt  }
0x5b: {  	_ =	shalt  }
0x5c: {  	_ =	shalt  }
0x5d: {  	_ =	shalt  }
0x5e: {  	_ =	shalt  }
0x5f: {  	_ =	shalt  }
0x60: {  	_ =	shalt  }
0x61: {  	_ =	shalt  }
0x62: {  	_ =	shalt  }
0x63: {  	_ =	shalt  }
0x64: {  	_ =	shalt  }
0x65: {  	_ =	shalt  }
0x66: {  	_ =	shalt  }
0x67: {  	_ =	shalt  }
0x68: {  	_ =	shalt  }
0x69: {  	_ =	shalt  }
0x6a: {  	_ =	shalt  }
0x6b: {  	_ =	shalt  }
0x6c: {  	_ =	shalt  }
0x6d: {  	_ =	shalt  }
0x6e: {  	_ =	shalt  }
0x6f: {  	_ =	shalt  }
0x70: {  	_ =	shalt  }
0x71: {  	_ =	shalt  }
0x72: {  	_ =	shalt  }
0x73: {  	_ =	shalt  }
0x74: {  	_ =	shalt  }
0x75: {  	_ =	shalt  }
0x76: {  	_ =	shalt  }
0x77: {  	_ =	shalt  }
0x78: {  	_ =	shalt  }
0x79: {  	_ =	shalt  }
0x7a: {  	_ =	shalt  }
0x7b: {  	_ =	shalt  }
0x7c: {  	_ =	shalt  }
0x7d: {  	_ =	shalt  }
0x7e: {  	_ =	shalt  }
0x7f: {  	_ =	shalt  }
0x80: {  	_ =	shalt  }
0x81: {  	_ =	shalt  }
0x82: {  	_ =	shalt  }
0x83: {  	_ =	shalt  }
0x84: {  	_ =	shalt  }
0x85: {  	_ =	shalt  }
0x86: {  	_ =	shalt  }
0x87: {  	_ =	shalt  }
.Lfunc_end0:
.L_simem_size_0:
called_computation_lowered:
.L_overlay_start_0:
0x88: {  	s2 =	sld [smem:$0x3FD9]  }
0x89: {  	s3 =	sld [smem:$0x3FFE];
	_ =	sdelay $0x1  }
0x8a: {  	s1 =	srdreg.scid  }
0x8b: {  	s0 =	sand.u32 $0x1, s1  }
0x8c: {  	s17 =	sshll.u32 s0, $0xA;
	s2 =	sadd.s32 s3, s2  }
0x8d: {  	s2 =	sadd.s32 s2, s17  }
0x8e: {  	[smem:$0x3FC4] =	sst s2  }
0x8f: {  	_ = 	snop  }
0x90: {  	s2 =	sld [smem:$0x3FD0];
	(tm) =	ssettm $0x1  }
0x91: {  	s18 =	sld [smem:$0x3FFB];
	_ =	sdelay $0x3  }
0x92: {  	_ =	strace s18  }
0x93: {  	s3 =	sld [smem:$0x3FFC];
	_ =	sdelay $0x3  }
0x94: {  	_ =	strace s3  }
0x95: {  	s3 =	sld [smem:$0x3FFD];
	_ =	sdelay $0x3  }
0x96: {  	_ =	strace s3  }
0x97: {  	_ =	strace $0x8FFFFFFF  }
0x98: {  	s19 =	sld [smem:$0x3FDB];
	_ =	sdelay $0x1  }
0x99: {  	s4 =	simm.s32 $_scs_section_size  }
0x9a: {  	s5 =	simm.s32 $_size__tile_overlayer_lowered;
	s6 =	simm.s32 $_tile_overlayer_lowered  }
0x9b: {  	s22 =	simm.s32 $0x1BFF;
	s21 =	sshll.u32 s6, $0x1;
	s3 =	sadd.s32 s4, s19  }
0x9c: {  	s7 =	simm.s32 $0x0;
	s20 =	sshll.u32 s5, $0x1;
	s5 =	sadd.s32 s21, s3  }
0x9d: {  	[timem:s7], [sflag:s22] =	dma.local [hbm:s5], s20  }
0x9e: {  	_ =	swait.ge [sflag:s22], s20  }
0x9f: {  	s4 =	ssub.s32 $0x0, s20;
	[sflag:s22] =	ssyncset.done $0x0  }
0xa0: {  	[sflag:s22] =	ssyncadd.s32 s4;
	_ =	sdelay $0x1  }
0xa1: {  	s23 =	simm.s32 $0x1B8B  }
0xa2: {  	_ =	swait.ge [sflag:s23], $0x1  }
0xa3: {  	[sflag:s23] =	ssyncset.done $0x0  }
0xa4: {  	s25 =	simm.s32 $0x1B8E;
	s24 =	sld [smem:$0x3FFE];
	[sflag:s23] =	ssyncadd.s32 $0xFFFFFFFF  }
0xa5: {  	s26 =	simm.s32 $execute0_lowered;
	[smem:$0x3FD2] =	sst s25  }
0xa6: {  	s5 =	sshll.u32 s26, $0x1;
	_ =	strace $0x80000046;
	[dreg:$0x1] =	wrdreg $0xFFFFFFFF  }
0xa7: {  	s28 =	simm.s32 $_size_execute0_lowered;
	s3 =	sadd.s32 s3, s5;
	[dreg:$0x0] =	wrdreg $0x0  }
0xa8: {  	s5 =	sshll.u32 s28, $0x1;
	[dreg:$0x2] =	wrdreg s3  }
0xa9: {  	[dreg:$0x3] =	wrdreg s5  }
0xaa: {  	[dreg:$0x4] =	wrdreg $0xC0  }
0xab: {  	_ =	task [dreg:s7], $0x5FFFF  }
0xac: {  	[dreg:$0x1] =	wrdreg $0xFFFFFFFF  }
0xad: {  	[dreg:$0x0] =	wrdreg $0x60  }
0xae: {  	[dreg:$0x2] =	wrdreg s24  }
0xaf: {  	[dreg:$0x3] =	wrdreg s2  }
0xb0: {  	[dreg:$0x4] =	wrdreg $0x9  }
0xb1: {  	_ =	task.clear_ibuf [dreg:s7], $0x5FFFF;
	_ =	strace $0x90000046  }
0xb2: {  	s29 =	simm.s32 $0x9;
	_ =	strace $0x80000048  }
0xb3: {  	_ =	swait.ge [sflag:s29], $0x1  }
0xb4: {  	[sflag:s29] =	ssyncadd.s32 $0xFFFFFFFF  }
0xb5: {  	_ =	strace $0x90000048  }
0xb6: {  	_ =	sfence  }
0xb7: {  	s30 =	sld [smem:$0x0];
	_ =	sdelay $0x2  }
0xb8: {  	s31 =	sshll.u32 s1, $0xD;
	s1 =	sshrl.u32 s1, $0x2  }
0xb9: {  	s3 =	sand.u32 $0x4000, s31;
	s1 =	sadd.s32 s1, s30  }
0xba: {  	s0 =	sor.u32 s3, s0;
	s1 =	sshll.u32 s1, $0x11  }
0xbb: {  	s0 =	sor.u32 s1, s0  }
0xbc: {  	s0 =	sadd.s32 $0x8F2B, s0  }
0xbd: {  	[sflag:s0] =	ssyncadd.remote.s32 $0x1  }
0xbe: {  	_ =	sfence.sel $0xFFFF  }
0xbf: {  	[dreg:$0x0] =	wrdreg $0xFFFFFFFF;
	(pc) =	sbr.abs _section_cstart, $3  }
0xc0: {  	[dreg:$0x1] =	wrdreg $0xFFFFFFFF  }
0xc1: {  	_ =	task.clear_ibuf [dreg:s7], $0x2FFFF;
	_ =	strace $0x9FFFFFFF  }
0xc2: {  	(tm) =	ssettm $0x7FFFFFFF  }
0xc3: {  	_ =	shalt  }
tec
execute0_lowered:
.L_overlay_start_1:
0x0: {  	(tag) =	ssettag $0x1  }
0x1: {  	s4 =	rddreg [dreg:$0x0]  }
0x2: {  	s0 =	srdreg.scid;
	s5 =	rddreg [dreg:$0x1];
	s2 =	simm.s32 $0x0  }
0x3: {  	s10 =	simm.s32 $0x2;
	s11 =	simm.s32 $0x0;
	s3 =	sand.u32 $0x1, s0  }
0x4: {  	s0 =	stileid.u32;
	[smem:$0x7FF] =	sst s2;
	s1 =	sshll.u32 s3, $0x4  }
0x5: {  	s8 =	sshll.u32 s0, $0x7;
	s3 =	ssub.s32 $0x2, s3;
	s6 =	sor.u32 s0, s1  }
0x6: {  	s1 =	rddreg [dreg:$0x2];
	s7 =	sshrl.u32 s6, $0x3;
	s6 =	smul.u32 $0x500, s6  }
0x7: {  	s8 =	sand.u32 $0x380, s8;
	s9 =	sshrl.u32 s3, $0x1;
	s7 =	smul.u32 $0x14000, s7  }
0x8: {  	_ =	strace $0x80000047;
	s31 =	ssub.s32 s3, s9;
	s9 =	simm.s32 $0x400  }
0x9: {  	s4 =	sadd.s32 s6, s4;
	s6 =	simm.s32 $0x1;
	s7 =	sor.u32 s8, s7  }
0xa: {  	s3 =	sadd.s32 $0x1600, s4;
	s8 =	simm.s32 $0x80;
	s7 =	sshrl.u32 s7, $0x3  }
0xb: {  	v0 =	vimm.f32 $0.0e+00;
	v1 =	vimm.f32 $1.000000000e+00;
	s4 =	sadd.s32 s5, s7;
	s5 =	smax.u32 s31, $0x1;
	s7 =	simm.s32 $0x2800  }
.LBB2_1:
0xc: {  	s12 =	simm.s32 $0x40;
	s13 =	simm.s32 $0x0  }
.LBB2_2:
0xd: {  	p0 =	sne.s32 s12, $0x9FC0;
	[tilespmem:s13+$0x2800] =	vst v0;
	s13 =	smov.u32 s12;
	s12 =	sadd.s32 $0x40, s12  }
.Ltmp0:
0xe: {  	(pc) =	sbr.rel @p0 .LBB2_2-.Ltmp0, $2  }
0xf: {  	_ =	sdelay $0x2  }
0x10: {  	s13 =	sshra.s32 s13, $0x2  }
0x11: {  	[tilespmem:s13+$0x2800] =	vst v0  }
0x12: {  	[tilespmem:s2], [sflag:$0x1] =	stream.linear.gather [hbm4b:s3+s2], $0x2800, $0x38;
	[tilespmem:$0x5000] =	vst v63  }
0x13: {  	_ =	swait.ge [sflag:s6], $0x2800  }
0x14: {  	[sflag:s6] =	ssyncset.done $0x0  }
0x15: {  	s12 =	simm.s32 $0x1C0;
	[sflag:s6] =	ssyncadd.s32 $0xFFFFD800  }
.LBB2_4:
0x16: {  	s13 =	sshra.s32 s12, $0x2  }
0x17: {  	v2 =	vld [tilespmem:s13+$0xFFFFFF90];
	_ =	sdelay $0x7  }
0x18: {  	[tilespmem:v2+s7+$0x0] =	vst.idx.add.f32.msk $0xffff, v1  }
0x19: {  	v2 =	vld [tilespmem:s13+$0xFFFFFFA0];
	_ =	sdelay $0x7  }
0x1a: {  	[tilespmem:v2+s7+$0x0] =	vst.idx.add.f32.msk $0xffff, v1  }
0x1b: {  	v2 =	vld [tilespmem:s13+$0xFFFFFFB0];
	_ =	sdelay $0x7  }
0x1c: {  	[tilespmem:v2+s7+$0x0] =	vst.idx.add.f32.msk $0xffff, v1  }
0x1d: {  	v2 =	vld [tilespmem:s13+$0xFFFFFFC0];
	_ =	sdelay $0x7  }
0x1e: {  	[tilespmem:v2+s7+$0x0] =	vst.idx.add.f32.msk $0xffff, v1  }
0x1f: {  	v2 =	vld [tilespmem:s13+$0xFFFFFFD0];
	_ =	sdelay $0x7  }
0x20: {  	[tilespmem:v2+s7+$0x0] =	vst.idx.add.f32.msk $0xffff, v1  }
0x21: {  	v2 =	vld [tilespmem:s13+$0xFFFFFFE0];
	_ =	sdelay $0x7  }
0x22: {  	[tilespmem:v2+s7+$0x0] =	vst.idx.add.f32.msk $0xffff, v1  }
0x23: {  	v2 =	vld [tilespmem:s13+$0xFFFFFFF0];
	_ =	sdelay $0x7  }
0x24: {  	[tilespmem:v2+s7+$0x0] =	vst.idx.add.f32.msk $0xffff, v1  }
0x25: {  	v2 =	vld [tilespmem:s13+$0x0];
	_ =	sdelay $0x2  }
0x26: {  	p0 =	sne.s32 s12, $0x9FC0  }
.Ltmp1:
0x27: {  	_ = 	snop;
	(pc) =	sbr.rel @p0 .LBB2_4-.Ltmp1, $2  }
0x28: {  	_ =	sdelay $0x2  }
0x29: {  	s12 =	sadd.s32 $0x200, s12;
	[tilespmem:v2+s7+$0x0] =	vst.idx.add.f32.msk $0xffff, v1  }
0x2a: {  	s11 =	sadd.s32 $0x1, s11  }
0x2b: {  	p0 =	sne.s32 s11, s5  }
.Ltmp2:
0x2c: {  	_ = 	snop;
	(pc) =	sbr.rel @p0 .LBB2_1-.Ltmp2, $4  }
0x2d: {  	[hbm4b:s4+s8] =	stream.strided.scatter [tilespmem:s7], [sflag:$0x2], $0x2800, s9, s8, $0x38;
	[tilespmem:$0x5000] =	vst v63  }
0x2e: {  	_ =	swait.ge [sflag:s10], $0x2800  }
0x2f: {  	[sflag:s10] =	ssyncset.done $0x0  }
0x30: {  	[sflag:s10] =	ssyncadd.s32 $0xFFFFD800  }
0x31: {  	_ =	sfence.sel $0x180000  }
0x32: {  	[bflag:$0x0] =	sbarrier.arrive $0xFFFF  }
0x33: {  	p0 =	sne.s32 s0, $0x0;
	_ =	strace $0x90000047  }
0x34: {  	s0 =	sadd.s32 @!p0 $0x100000, s1;
	[bflag:$0x2] =	sbarrier.arrive $0xFFFF  }
0x35: {  	[sflag:s0] =	ssyncadd.tile.s32 @!p0 $0x1;
	_ =	shalt  }
.Lfunc_end2:
_tile_overlayer_lowered:
.L_overlay_start_2:
0x36: {  	(tag) =	ssettag $0x2  }
0x37: {  	s0 =	rddreg [dreg:$0x0];
	s2 =	stileid.u32  }
0x38: {  	s1 =	rddreg [dreg:$0x1];
	p0 =	sne.s32 s2, $0x0  }
0x39: {  	s3 =	rddreg [dreg:$0x2];
	[bflag:$0x3] =	sbarrier.arrive $0xFFFF;
	s2 =	simm.s32 @!p0 $0x1C02  }
0x3a: {  	[timem:s3], [sflag:s2] =	dma.local @!p0 [hbm:s0], s1  }
0x3b: {  	s0 =	simm.s32 @!p0 $0x2  }
0x3c: {  	_ =	swait.ge @!p0 [sflag:s0], s1  }
0x3d: {  	s1 =	ssub.s32 @!p0 $0x0, s1;
	[sflag:s0] =	ssyncset.done @!p0 $0x0  }
0x3e: {  	[sflag:s0] =	ssyncadd.s32 @!p0 s1  }
0x3f: {  	[bflag:$0x3] =	sbarrier.arrive $0xFFFF  }
0x40: {  	_ =	shalt  }

// kernel: kernel.9.cloned.1.call-start
scs
__scs_entry_jumppad:
0x0: {  	(pc) =	sbr.rel $0x88, $3  }
0x1: {  	(tag) =	ssettag $0x0;
	lr =	simm.s32 $0x1  }
0x2: {  	[smem:$0x3F9D] =	sst lr;
	_ =	strace $0xD0000000  }
0x3: {  	_ = 	snop  }
0x4: {  	_ = 	snop  }
0x5: {  	_ = 	snop  }
0x6: {  	_ = 	snop  }
0x7: {  	_ = 	snop  }
__scs_overlays_trampoline_lowered:
0x8: {  	[smem:$0x3FAC] =	sst s0  }
0x9: {  	[smem:$0x3FAD] =	sst s1  }
0xa: {  	[smem:$0x3FAE] =	sst s2  }
0xb: {  	[smem:$0x3FAF] =	sst s3  }
0xc: {  	[smem:$0x3FB0] =	sst s4  }
0xd: {  	[smem:$0x3FB1] =	sst s5  }
0xe: {  	[smem:$0x3FB2] =	sst s6  }
0xf: {  	[smem:$0x3FB3] =	sst s7  }
0x10: {  	[smem:$0x3FB4] =	sst s8  }
0x11: {  	[smem:$0x3FB5] =	sst s9;
	s0 =	simm.s32 @!p0 $0x0  }
0x12: {  	s1 =	sld [smem:$0x3F9B];
	s0 =	simm.s32 @p0 $0x1  }
0x13: {  	[smem:$0x3FB6] =	sst s0;
	s0 =	simm.s32 @!p1 $0x0  }
0x14: {  	s2 =	sld [smem:$0x3F9A];
	s0 =	simm.s32 @p1 $0x1  }
0x15: {  	[smem:$0x3FB7] =	sst s0;
	s0 =	simm.s32 @!p2 $0x0  }
0x16: {  	s3 =	sld [smem:$0x3FDB];
	s0 =	simm.s32 @p2 $0x1  }
0x17: {  	s4 =	simm.s32 $0x1BF5;
	[smem:$0x3FB9] =	sst s0  }
0x18: {  	s0 =	sld [smem:$0x3F9C];
	_ =	swait.ge [sflag:s4], $0x0  }
0x19: {  	s7 =	sld [smem:$0x3F9D]  }
0x1a: {  	s8 =	sadd.s32 $0xFFFFE003, lr  }
0x1b: {  	s9 =	sadd.s32 $0xFFFFFEF7, lr;
	s5 =	simm.s32 $0xFFFFFFFF;
	p2 =	slt.u32 s8, $0xFFFFF086  }
0x1c: {  	p1 =	slt.u32 s9, $0xF7A;
	s5 =	simm.s32 @!p2 $0x0  }
0x1d: {  	s5 =	simm.s32 @p1 $0x1;
	p0 =	seq.s32 s7, s2  }
0x1e: {  	s7 =	smul.u32 @!p0 $0xF7A, s2;
	p2 =	seq.s32 @!p0 s5, $0x0  }
0x1f: {  	s9 =	smul.u32 $0xF7A, s1;
	s8 =	simm.s32 @!p0 $0x1BF5;
	p2 =	por !p2, p0  }
0x20: {  	[sflag:s8] =	ssyncset.s32 @!p0 $0xFFFFF086;
	s6 =	sadd.s32 @!p0 s3, s7;
	s7 =	simm.s32 @!p0 $0x108  }
0x21: {  	s3 =	sadd.s32 s3, s9;
	s6 =	sadd.s32 @!p0 $0x88, s6;
	s7 =	simm.s32 @p2 $0x1082  }
0x22: {  	[simem:s7], [sflag:s8] =	dma.local @!p0 [hbm:s6], $0xF7A  }
0x23: {  	s9 =	sor.u32 $0xD0000000, s2;
	s6 =	simm.s32 $0x108;
	_ =	swait.ge @!p0 [sflag:s8], $0x0  }
0x24: {  	s3 =	sadd.s32 $0x88, s3;
	s6 =	simm.s32 @!p1 $0x1082;
	[sflag:s4] =	ssyncset.s32 $0xFFFFF086  }
0x25: {  	[simem:s6], [sflag:s4] =	dma.local [hbm:s3], $0xF7A  }
0x26: {  	[smem:$0x3F9D] =	sst s1;
	(tag) =	ssettag s2;
	_ =	strace s9  }
0x27: {  	s1 =	sld [smem:$0x3FAD]  }
0x28: {  	s2 =	sld [smem:$0x3FAE]  }
0x29: {  	s4 =	sld [smem:$0x3FB0]  }
0x2a: {  	p0 =	seq.s32 s5, $0x0;
	s5 =	sld [smem:$0x3FB1]  }
0x2b: {  	s6 =	sld [smem:$0x3FB2]  }
0x2c: {  	s7 =	sld [smem:$0x3FB3]  }
0x2d: {  	s3 =	simm.s32 $0x108;
	s8 =	sld [smem:$0x3FB4]  }
0x2e: {  	s3 =	simm.s32 @!p0 $0x1082;
	s9 =	sld [smem:$0x3FB5]  }
0x2f: {  	lr =	sadd.s32 s0, s3;
	s0 =	sld [smem:$0x3FAC]  }
0x30: {  	s3 =	sld [smem:$0x3FAF]  }
0x31: {  	[smem:$0x3FB8] =	sst s10  }
0x32: {  	s10 =	sld [smem:$0x3FB6];
	_ =	sdelay $0x3  }
0x33: {  	p0 =	seq.s32 s10, $0x1;
	s10 =	sld [smem:$0x3FB8];
	_ =	sdelay $0x3  }
0x34: {  	[smem:$0x3FB8] =	sst s10  }
0x35: {  	s10 =	sld [smem:$0x3FB7];
	_ =	sdelay $0x3  }
0x36: {  	p1 =	seq.s32 s10, $0x1;
	s10 =	sld [smem:$0x3FB8];
	_ =	sdelay $0x3  }
0x37: {  	[smem:$0x3FB8] =	sst s10  }
0x38: {  	s10 =	sld [smem:$0x3FB9]  }
0x39: {  	_ = 	snop;
	(pc) =	sbr.ind lr, $3  }
0x3a: {  	_ = 	snop  }
0x3b: {  	_ = 	snop  }
0x3c: {  	p2 =	seq.s32 s10, $0x1;
	s10 =	sld [smem:$0x3FB8]  }
0x3d: {  	_ =	shalt  }
0x3e: {  	_ =	shalt  }
0x3f: {  	_ =	shalt  }
0x40: {  	_ =	shalt  }
0x41: {  	_ =	shalt  }
0x42: {  	_ =	shalt  }
0x43: {  	_ =	shalt  }
0x44: {  	_ =	shalt  }
0x45: {  	_ =	shalt  }
0x46: {  	_ =	shalt  }
0x47: {  	_ =	shalt  }
0x48: {  	_ =	shalt  }
0x49: {  	_ =	shalt  }
0x4a: {  	_ =	shalt  }
0x4b: {  	_ =	shalt  }
0x4c: {  	_ =	shalt  }
0x4d: {  	_ =	shalt  }
0x4e: {  	_ =	shalt  }
0x4f: {  	_ =	shalt  }
0x50: {  	_ =	shalt  }
0x51: {  	_ =	shalt  }
0x52: {  	_ =	shalt  }
0x53: {  	_ =	shalt  }
0x54: {  	_ =	shalt  }
0x55: {  	_ =	shalt  }
0x56: {  	_ =	shalt  }
0x57: {  	_ =	shalt  }
0x58: {  	_ =	shalt  }
0x59: {  	_ =	shalt  }
0x5a: {  	_ =	shalt  }
0x5b: {  	_ =	shalt  }
0x5c: {  	_ =	shalt  }
0x5d: {  	_ =	shalt  }
0x5e: {  	_ =	shalt  }
0x5f: {  	_ =	shalt  }
0x60: {  	_ =	shalt  }
0x61: {  	_ =	shalt  }
0x62: {  	_ =	shalt  }
0x63: {  	_ =	shalt  }
0x64: {  	_ =	shalt  }
0x65: {  	_ =	shalt  }
0x66: {  	_ =	shalt  }
0x67: {  	_ =	shalt  }
0x68: {  	_ =	shalt  }
0x69: {  	_ =	shalt  }
0x6a: {  	_ =	shalt  }
0x6b: {  	_ =	shalt  }
0x6c: {  	_ =	shalt  }
0x6d: {  	_ =	shalt  }
0x6e: {  	_ =	shalt  }
0x6f: {  	_ =	shalt  }
0x70: {  	_ =	shalt  }
0x71: {  	_ =	shalt  }
0x72: {  	_ =	shalt  }
0x73: {  	_ =	shalt  }
0x74: {  	_ =	shalt  }
0x75: {  	_ =	shalt  }
0x76: {  	_ =	shalt  }
0x77: {  	_ =	shalt  }
0x78: {  	_ =	shalt  }
0x79: {  	_ =	shalt  }
0x7a: {  	_ =	shalt  }
0x7b: {  	_ =	shalt  }
0x7c: {  	_ =	shalt  }
0x7d: {  	_ =	shalt  }
0x7e: {  	_ =	shalt  }
0x7f: {  	_ =	shalt  }
0x80: {  	_ =	shalt  }
0x81: {  	_ =	shalt  }
0x82: {  	_ =	shalt  }
0x83: {  	_ =	shalt  }
0x84: {  	_ =	shalt  }
0x85: {  	_ =	shalt  }
0x86: {  	_ =	shalt  }
0x87: {  	_ =	shalt  }
.Lfunc_end0:
.L_simem_size_0:
called_computation.1_lowered:
.L_overlay_start_0:
0x88: {  	s2 =	sld [smem:$0x3FD9]  }
0x89: {  	s3 =	sld [smem:$0x3FFE];
	_ =	sdelay $0x1  }
0x8a: {  	s1 =	srdreg.scid  }
0x8b: {  	s0 =	sand.u32 $0x1, s1  }
0x8c: {  	s17 =	sshll.u32 s0, $0xA;
	s2 =	sadd.s32 s3, s2  }
0x8d: {  	s2 =	sadd.s32 s2, s17  }
0x8e: {  	[smem:$0x3FC4] =	sst s2  }
0x8f: {  	_ = 	snop  }
0x90: {  	s2 =	sld [smem:$0x3FD0];
	(tm) =	ssettm $0x1  }
0x91: {  	s18 =	sld [smem:$0x3FFB];
	_ =	sdelay $0x3  }
0x92: {  	_ =	strace s18  }
0x93: {  	s3 =	sld [smem:$0x3FFC];
	_ =	sdelay $0x3  }
0x94: {  	_ =	strace s3  }
0x95: {  	s3 =	sld [smem:$0x3FFD];
	_ =	sdelay $0x3  }
0x96: {  	_ =	strace s3  }
0x97: {  	_ =	strace $0x8FFFFFFF  }
0x98: {  	s19 =	sld [smem:$0x3FDB];
	_ =	sdelay $0x1  }
0x99: {  	s4 =	simm.s32 $_scs_section_size  }
0x9a: {  	s5 =	simm.s32 $_size__tile_overlayer_lowered;
	s6 =	simm.s32 $_tile_overlayer_lowered  }
0x9b: {  	s22 =	simm.s32 $0x1BFF;
	s21 =	sshll.u32 s6, $0x1;
	s3 =	sadd.s32 s4, s19  }
0x9c: {  	s7 =	simm.s32 $0x0;
	s20 =	sshll.u32 s5, $0x1;
	s5 =	sadd.s32 s21, s3  }
0x9d: {  	[timem:s7], [sflag:s22] =	dma.local [hbm:s5], s20  }
0x9e: {  	_ =	swait.ge [sflag:s22], s20  }
0x9f: {  	s4 =	ssub.s32 $0x0, s20;
	[sflag:s22] =	ssyncset.done $0x0  }
0xa0: {  	[sflag:s22] =	ssyncadd.s32 s4;
	_ =	sdelay $0x1  }
0xa1: {  	s23 =	simm.s32 $0x1B8B  }
0xa2: {  	_ =	swait.ge [sflag:s23], $0x1  }
0xa3: {  	[sflag:s23] =	ssyncset.done $0x0  }
0xa4: {  	s25 =	simm.s32 $0x1B8E;
	s24 =	sld [smem:$0x3FFE];
	[sflag:s23] =	ssyncadd.s32 $0xFFFFFFFF  }
0xa5: {  	s26 =	simm.s32 $execute0_lowered;
	[smem:$0x3FD2] =	sst s25  }
0xa6: {  	s5 =	sshll.u32 s26, $0x1;
	_ =	strace $0x80000049;
	[dreg:$0x1] =	wrdreg $0xFFFFFFFF  }
0xa7: {  	s28 =	simm.s32 $_size_execute0_lowered;
	s3 =	sadd.s32 s3, s5;
	[dreg:$0x0] =	wrdreg $0x0  }
0xa8: {  	s5 =	sshll.u32 s28, $0x1;
	[dreg:$0x2] =	wrdreg s3  }
0xa9: {  	[dreg:$0x3] =	wrdreg s5  }
0xaa: {  	[dreg:$0x4] =	wrdreg $0xC0  }
0xab: {  	_ =	task [dreg:s7], $0x5FFFF  }
0xac: {  	[dreg:$0x1] =	wrdreg $0xFFFFFFFF  }
0xad: {  	[dreg:$0x0] =	wrdreg $0x60  }
0xae: {  	[dreg:$0x2] =	wrdreg s2  }
0xaf: {  	[dreg:$0x3] =	wrdreg s24  }
0xb0: {  	[dreg:$0x4] =	wrdreg $0xA8000  }
0xb1: {  	[dreg:$0x5] =	wrdreg $0x9  }
0xb2: {  	_ =	task.clear_ibuf [dreg:s7], $0x6FFFF;
	_ =	strace $0x90000049  }
0xb3: {  	s29 =	simm.s32 $0x9;
	_ =	strace $0x8000004B  }
0xb4: {  	_ =	swait.ge [sflag:s29], $0x1  }
0xb5: {  	[sflag:s29] =	ssyncadd.s32 $0xFFFFFFFF  }
0xb6: {  	_ =	strace $0x9000004B  }
0xb7: {  	_ =	sfence  }
0xb8: {  	s30 =	sld [smem:$0x0];
	_ =	sdelay $0x2  }
0xb9: {  	s31 =	sshll.u32 s1, $0xD;
	s1 =	sshrl.u32 s1, $0x2  }
0xba: {  	s3 =	sand.u32 $0x4000, s31;
	s1 =	sadd.s32 s1, s30  }
0xbb: {  	s0 =	sor.u32 s3, s0;
	s1 =	sshll.u32 s1, $0x11  }
0xbc: {  	s0 =	sor.u32 s1, s0  }
0xbd: {  	s0 =	sadd.s32 $0x8F2B, s0  }
0xbe: {  	[sflag:s0] =	ssyncadd.remote.s32 $0x1  }
0xbf: {  	_ =	sfence.sel $0xFFFF  }
0xc0: {  	[dreg:$0x0] =	wrdreg $0xFFFFFFFF;
	(pc) =	sbr.abs _section_cstart, $3  }
0xc1: {  	[dreg:$0x1] =	wrdreg $0xFFFFFFFF  }
0xc2: {  	_ =	task.clear_ibuf [dreg:s7], $0x2FFFF;
	_ =	strace $0x9FFFFFFF  }
0xc3: {  	(tm) =	ssettm $0x7FFFFFFF  }
tec
execute0_lowered:
.L_overlay_start_1:
0x0: {  	(tag) =	ssettag $0x1  }
0x1: {  	s2 =	rddreg [dreg:$0x0]  }
0x2: {  	s5 =	rddreg [dreg:$0x1]  }
0x3: {  	s3 =	rddreg [dreg:$0x2];
	s1 =	stileid.u32  }
0x4: {  	s6 =	srdreg.scid;
	s4 =	simm.s32 $0x0;
	s17 =	simm.s32 $0x1  }
0x5: {  	s18 =	simm.s32 $0x2;
	s19 =	simm.s32 $0x80;
	s20 =	simm.s32 $0x2800  }
0x6: {  	s21 =	simm.s32 $0x6800;
	s22 =	simm.s32 $0x4;
	s23 =	simm.s32 $0x1380  }
0x7: {  	s7 =	smul.u32 $0x14000, s1;
	s6 =	sand.u32 $0x1, s6;
	[smem:$0x7FF] =	sst s4  }
0x8: {  	s10 =	sadd.s32 $0xB600, s5;
	s11 =	sadd.s32 $0x1600, s5;
	s12 =	smul.u32 $0x50000, s1  }
0x9: {  	s8 =	smul.u32 $0x140000, s6;
	_ =	strace $0x8000004A;
	s24 =	sshll.u32 s6, $0x4  }
0xa: {  	s25 =	ssub.s32 $0x2, s6;
	s6 =	sshll.u32 s1, $0x6;
	s9 =	sshrl.u32 s7, $0x3  }
0xb: {  	s26 =	sor.u32 s1, s24;
	s28 =	sshrl.u32 s25, $0x1;
	s29 =	sshrl.u32 s12, $0x2  }
0xc: {  	s24 =	simm.s32 $0x2700;
	s9 =	sadd.s32 s9, s5;
	s7 =	sadd.s32 s7, s8  }
0xd: {  	s30 =	smul.u32 $0x2800, s26;
	s14 =	ssub.s32 s25, s28;
	s15 =	sadd.s32 s29, s3  }
0xe: {  	s16 =	smul.u32 $0x500, s26;
	s25 =	simm.s32 $0x2780;
	s7 =	sshrl.u32 s7, $0x3  }
0xf: {  	s26 =	simm.s32 $0x0;
	s13 =	sadd.s32 s7, s5;
	s5 =	sadd.s32 $0x15600, s9  }
0x10: {  	s31 =	sshrl.u32 s30, $0x3;
	s7 =	sor.u32 $0x1C03, s6;
	s8 =	sadd.s32 s10, s16  }
0x11: {  	s9 =	sadd.s32 s11, s16;
	s16 =	simm.s32 $0x1400;
	s12 =	sadd.s32 $0x280, s31  }
0x12: {  	s10 =	sadd.s32 s10, s12;
	s11 =	sadd.s32 s11, s12;
	s12 =	sadd.s32 $0x3D600, s13  }
0x13: {  	s13 =	smax.u32 s14, $0x1;
	s14 =	sshrl.u32 s15, $0x3;
	s15 =	simm.s32 $0x3  }
.LBB2_1:
0x14: {  	[spmem:s14], [sflag:s7] =	dma.local [hbm:s5], $0x2800  }
0x15: {  	_ =	swait.ge [sflag:s15], $0x2800  }
0x16: {  	[sflag:s15] =	ssyncset.done $0x0  }
0x17: {  	[sflag:s15] =	ssyncadd.s32 $0xFFFFD800  }
0x18: {  	[bflag:$0x0] =	sbarrier.arrive $0xFFFF  }
0x19: {  	[tilespmem:s4], [sflag:$0x1] =	stream.linear.gather [hbm4b:s8+s4], $0x1400, $0x38;
	[tilespmem:$0x1E800] =	vst v63  }
0x1a: {  	_ = 	snop  }
0x1b: {  	[tilespmem:s16], [sflag:$0x2] =	stream.linear.gather [hbm4b:s9+s4], $0x1400, $0x38;
	[tilespmem:$0x1E800] =	vst v63  }
0x1c: {  	_ =	swait.ge [sflag:s17], $0x1400  }
0x1d: {  	[sflag:s17] =	ssyncset.done $0x0  }
0x1e: {  	[sflag:s17] =	ssyncadd.s32 $0xFFFFEC00  }
0x1f: {  	_ =	swait.ge [sflag:s18], $0x1400  }
0x20: {  	[sflag:s18] =	ssyncset.done $0x0  }
0x21: {  	[sflag:s18] =	ssyncadd.s32 $0xFFFFEC00  }
0x22: {  	[tilespmem:s20], [sflag:$0x1] =	stream.indirect.gather [hbm4b:s2+s19], $0x80, s4, s19, $0xb8;
	[tilespmem:$0x1E800] =	vst v63  }
0x23: {  	s28 =	simm.s32 $0x80  }
0x24: {  	[tilespmem:s21], [sflag:$0x2] =	stream.indirect.gather [hbm4b:s2+s19], $0x80, s28, s19, $0xb8;
	[tilespmem:$0x1E800] =	vst v63  }
0x25: {  	_ =	swait.ge [sflag:s17], $0x4000  }
0x26: {  	[sflag:s17] =	ssyncset.done $0x0  }
0x27: {  	s28 =	simm.s32 $0x1400;
	[sflag:s17] =	ssyncadd.s32 $0xFFFFC000  }
0x28: {  	[spmem:s3] =	stream.indirect.scatter.add.f32 [tilespmem:s20], [sflag:$0x4], $0x80, s28, s19, $0xb8;
	[tilespmem:$0x1E800] =	vst v63  }
0x29: {  	_ =	swait.ge [sflag:s22], $0x4000  }
0x2a: {  	[sflag:s22] =	ssyncset.done $0x0  }
0x2b: {  	s28 =	simm.s32 $0x100;
	[sflag:s22] =	ssyncadd.s32 $0xFFFFC000  }
0x2c: {  	[tilespmem:s20], [sflag:$0x1] =	stream.indirect.gather [hbm4b:s2+s19], $0x80, s28, s19, $0xb8;
	[tilespmem:$0x1E800] =	vst v63  }
0x2d: {  	_ =	swait.ge [sflag:s18], $0x4000  }
0x2e: {  	[sflag:s18] =	ssyncset.done $0x0  }
0x2f: {  	s28 =	simm.s32 $0x1480;
	[sflag:s18] =	ssyncadd.s32 $0xFFFFC000  }
0x30: {  	[spmem:s3] =	stream.indirect.scatter.add.f32 [tilespmem:s21], [sflag:$0x4], $0x80, s28, s19, $0xb8;
	[tilespmem:$0x1E800] =	vst v63  }
0x31: {  	_ =	swait.ge [sflag:s22], $0x4000  }
0x32: {  	s29 =	simm.s32 $0x800;
	s28 =	simm.s32 $0x100;
	[sflag:s22] =	ssyncset.done $0x0  }
.LBB2_2:
0x33: {  	s30 =	sadd.s32 $0x80, s28  }
0x34: {  	[sflag:s22] =	ssyncadd.s32 $0xFFFFC000;
	s31 =	smov.u32 s29;
	s0 =	sadd.s32 $0x400, s29  }
0x35: {  	[tilespmem:s21], [sflag:$0x2] =	stream.indirect.gather [hbm4b:s2+s19], $0x80, s30, s19, $0xb8;
	[tilespmem:$0x1E800] =	vst v63  }
0x36: {  	p0 =	sne.s32 s29, $0x4800;
	_ =	swait.ge [sflag:s17], $0x4000  }
0x37: {  	[sflag:s17] =	ssyncset.done $0x0  }
0x38: {  	s29 =	sadd.s32 $0x1400, s28;
	[sflag:s17] =	ssyncadd.s32 $0xFFFFC000  }
0x39: {  	[spmem:s3] =	stream.indirect.scatter.add.f32 [tilespmem:s20], [sflag:$0x4], $0x80, s29, s19, $0xb8;
	[tilespmem:$0x1E800] =	vst v63  }
0x3a: {  	_ =	swait.ge [sflag:s22], $0x4000  }
0x3b: {  	[sflag:s22] =	ssyncset.done $0x0  }
0x3c: {  	s29 =	sadd.s32 $0x100, s28;
	[sflag:s22] =	ssyncadd.s32 $0xFFFFC000  }
0x3d: {  	[tilespmem:s20], [sflag:$0x1] =	stream.indirect.gather [hbm4b:s2+s19], $0x80, s29, s19, $0xb8;
	[tilespmem:$0x1E800] =	vst v63  }
0x3e: {  	_ =	swait.ge [sflag:s18], $0x4000  }
.Ltmp0:
0x3f: {  	[sflag:s18] =	ssyncset.done $0x0;
	(pc) =	sbr.rel @p0 .LBB2_2-.Ltmp0, $4  }
0x40: {  	s28 =	sadd.s32 $0x1480, s28;
	[sflag:s18] =	ssyncadd.s32 $0xFFFFC000  }
0x41: {  	[spmem:s3] =	stream.indirect.scatter.add.f32 [tilespmem:s21], [sflag:$0x4], $0x80, s28, s19, $0xb8;
	[tilespmem:$0x1E800] =	vst v63  }
0x42: {  	_ =	swait.ge [sflag:s22], $0x4000  }
0x43: {  	s29 =	smov.u32 s0;
	s28 =	sshra.s32 s31, $0x2;
	[sflag:s22] =	ssyncset.done $0x0  }
0x44: {  	s0 =	sadd.s32 $0x80, s28;
	[sflag:s22] =	ssyncadd.s32 $0xFFFFC000  }
0x45: {  	[tilespmem:s21], [sflag:$0x2] =	stream.indirect.gather [hbm4b:s2+s19], $0x80, s0, s19, $0xb8;
	[tilespmem:$0x1E800] =	vst v63  }
0x46: {  	_ =	swait.ge [sflag:s17], $0x4000  }
0x47: {  	[sflag:s17] =	ssyncset.done $0x0  }
0x48: {  	s30 =	sadd.s32 $0x1400, s28;
	[sflag:s17] =	ssyncadd.s32 $0xFFFFC000  }
0x49: {  	[spmem:s3] =	stream.indirect.scatter.add.f32 [tilespmem:s20], [sflag:$0x4], $0x80, s30, s19, $0xb8;
	[tilespmem:$0x1E800] =	vst v63  }
0x4a: {  	_ =	swait.ge [sflag:s22], $0x4000  }
0x4b: {  	[sflag:s22] =	ssyncset.done $0x0  }
0x4c: {  	s31 =	sadd.s32 $0x100, s28;
	[sflag:s22] =	ssyncadd.s32 $0xFFFFC000  }
0x4d: {  	[tilespmem:s20], [sflag:$0x1] =	stream.indirect.gather [hbm4b:s2+s19], $0x80, s31, s19, $0xb8;
	[tilespmem:$0x1E800] =	vst v63  }
0x4e: {  	_ =	swait.ge [sflag:s18], $0x4000  }
0x4f: {  	[sflag:s18] =	ssyncset.done $0x0  }
0x50: {  	s30 =	sadd.s32 $0x1480, s28;
	[sflag:s18] =	ssyncadd.s32 $0xFFFFC000  }
0x51: {  	[spmem:s3] =	stream.indirect.scatter.add.f32 [tilespmem:s21], [sflag:$0x4], $0x80, s30, s19, $0xb8;
	[tilespmem:$0x1E800] =	vst v63  }
0x52: {  	_ =	swait.ge [sflag:s22], $0x4000  }
0x53: {  	[sflag:s22] =	ssyncset.done $0x0  }
0x54: {  	[sflag:s22] =	ssyncadd.s32 $0xFFFFC000  }
0x55: {  	[tilespmem:s21], [sflag:$0x2] =	stream.indirect.gather [hbm4b:s2+s19], $0x80, s23, s19, $0xb8;
	[tilespmem:$0x1E800] =	vst v63  }
0x56: {  	_ =	swait.ge [sflag:s17], $0x4000  }
0x57: {  	[sflag:s17] =	ssyncset.done $0x0  }
0x58: {  	[sflag:s17] =	ssyncadd.s32 $0xFFFFC000  }
0x59: {  	[spmem:s3] =	stream.indirect.scatter.add.f32 [tilespmem:s20], [sflag:$0x4], $0x80, s24, s19, $0xb8;
	[tilespmem:$0x1E800] =	vst v63  }
0x5a: {  	_ =	swait.ge [sflag:s22], $0x4000  }
0x5b: {  	[sflag:s22] =	ssyncset.done $0x0  }
0x5c: {  	[sflag:s22] =	ssyncadd.s32 $0xFFFFC000  }
0x5d: {  	[tilespmem:s20], [sflag:$0x1] =	stream.indirect.gather [hbm4b:s2+s19], $0x80, s23, s19, $0xb8;
	[tilespmem:$0x1E800] =	vst v63  }
0x5e: {  	_ =	swait.ge [sflag:s18], $0x4000  }
0x5f: {  	[sflag:s18] =	ssyncset.done $0x0  }
0x60: {  	[sflag:s18] =	ssyncadd.s32 $0xFFFFC000  }
0x61: {  	[spmem:s3] =	stream.indirect.scatter.add.f32 [tilespmem:s21], [sflag:$0x4], $0x80, s25, s19, $0xb8;
	[tilespmem:$0x1E800] =	vst v63  }
0x62: {  	_ =	swait.ge [sflag:s22], $0x4000  }
0x63: {  	[sflag:s22] =	ssyncset.done $0x0  }
0x64: {  	[sflag:s22] =	ssyncadd.s32 $0xFFFFC000  }
0x65: {  	_ =	swait.ge [sflag:s17], $0x4000  }
0x66: {  	[sflag:s17] =	ssyncset.done $0x0  }
0x67: {  	s31 =	simm.s32 $0x0;
	[sflag:s17] =	ssyncadd.s32 $0xFFFFC000  }
0x68: {  	[tilespmem:s31], [sflag:$0x1] =	stream.linear.gather [hbm4b:s10+s31], $0x1400, $0x38;
	[tilespmem:$0x1E800] =	vst v63  }
0x69: {  	_ = 	snop  }
0x6a: {  	[tilespmem:s16], [sflag:$0x2] =	stream.linear.gather [hbm4b:s11+s31], $0x1400, $0x38;
	[tilespmem:$0x1E800] =	vst v63  }
0x6b: {  	_ =	swait.ge [sflag:s17], $0x1400  }
0x6c: {  	[sflag:s17] =	ssyncset.done $0x0  }
0x6d: {  	[sflag:s17] =	ssyncadd.s32 $0xFFFFEC00  }
0x6e: {  	_ =	swait.ge [sflag:s18], $0x1400  }
0x6f: {  	[sflag:s18] =	ssyncset.done $0x0  }
0x70: {  	[sflag:s18] =	ssyncadd.s32 $0xFFFFEC00  }
0x71: {  	[tilespmem:s20], [sflag:$0x1] =	stream.indirect.gather [hbm4b:s2+s19], $0x80, s31, s19, $0xb8;
	[tilespmem:$0x1E800] =	vst v63  }
0x72: {  	s30 =	simm.s32 $0x80  }
0x73: {  	[tilespmem:s21], [sflag:$0x2] =	stream.indirect.gather [hbm4b:s2+s19], $0x80, s30, s19, $0xb8;
	[tilespmem:$0x1E800] =	vst v63  }
0x74: {  	_ =	swait.ge [sflag:s17], $0x4000  }
0x75: {  	[sflag:s17] =	ssyncset.done $0x0  }
0x76: {  	s31 =	simm.s32 $0x1400;
	[sflag:s17] =	ssyncadd.s32 $0xFFFFC000  }
0x77: {  	[spmem:s3] =	stream.indirect.scatter.add.f32 [tilespmem:s20], [sflag:$0x4], $0x80, s31, s19, $0xb8;
	[tilespmem:$0x1E800] =	vst v63  }
0x78: {  	_ =	swait.ge [sflag:s22], $0x4000  }
0x79: {  	[sflag:s22] =	ssyncset.done $0x0  }
0x7a: {  	s30 =	simm.s32 $0x100;
	[sflag:s22] =	ssyncadd.s32 $0xFFFFC000  }
0x7b: {  	[tilespmem:s20], [sflag:$0x1] =	stream.indirect.gather [hbm4b:s2+s19], $0x80, s30, s19, $0xb8;
	[tilespmem:$0x1E800] =	vst v63  }
0x7c: {  	_ =	swait.ge [sflag:s18], $0x4000  }
0x7d: {  	[sflag:s18] =	ssyncset.done $0x0  }
0x7e: {  	s31 =	simm.s32 $0x1480;
	[sflag:s18] =	ssyncadd.s32 $0xFFFFC000  }
0x7f: {  	[spmem:s3] =	stream.indirect.scatter.add.f32 [tilespmem:s21], [sflag:$0x4], $0x80, s31, s19, $0xb8;
	[tilespmem:$0x1E800] =	vst v63  }
0x80: {  	_ =	swait.ge [sflag:s22], $0x4000  }
0x81: {  	s29 =	simm.s32 $0x800;
	s28 =	simm.s32 $0x100;
	[sflag:s22] =	ssyncset.done $0x0  }
.LBB2_4:
0x82: {  	s0 =	sadd.s32 $0x80, s28  }
0x83: {  	[sflag:s22] =	ssyncadd.s32 $0xFFFFC000;
	s30 =	smov.u32 s29;
	s31 =	sadd.s32 $0x400, s29  }
0x84: {  	[tilespmem:s21], [sflag:$0x2] =	stream.indirect.gather [hbm4b:s2+s19], $0x80, s0, s19, $0xb8;
	[tilespmem:$0x1E800] =	vst v63  }
0x85: {  	p0 =	sne.s32 s29, $0x4800;
	_ =	swait.ge [sflag:s17], $0x4000  }
0x86: {  	[sflag:s17] =	ssyncset.done $0x0  }
0x87: {  	s0 =	sadd.s32 $0x1400, s28;
	[sflag:s17] =	ssyncadd.s32 $0xFFFFC000  }
0x88: {  	[spmem:s3] =	stream.indirect.scatter.add.f32 [tilespmem:s20], [sflag:$0x4], $0x80, s0, s19, $0xb8;
	[tilespmem:$0x1E800] =	vst v63  }
0x89: {  	_ =	swait.ge [sflag:s22], $0x4000  }
0x8a: {  	[sflag:s22] =	ssyncset.done $0x0  }
0x8b: {  	s0 =	sadd.s32 $0x100, s28;
	[sflag:s22] =	ssyncadd.s32 $0xFFFFC000  }
0x8c: {  	[tilespmem:s20], [sflag:$0x1] =	stream.indirect.gather [hbm4b:s2+s19], $0x80, s0, s19, $0xb8;
	[tilespmem:$0x1E800] =	vst v63  }
0x8d: {  	_ =	swait.ge [sflag:s18], $0x4000  }
.Ltmp1:
0x8e: {  	[sflag:s18] =	ssyncset.done $0x0;
	(pc) =	sbr.rel @p0 .LBB2_4-.Ltmp1, $4  }
0x8f: {  	s0 =	sadd.s32 $0x1480, s28;
	[sflag:s18] =	ssyncadd.s32 $0xFFFFC000  }
0x90: {  	[spmem:s3] =	stream.indirect.scatter.add.f32 [tilespmem:s21], [sflag:$0x4], $0x80, s0, s19, $0xb8;
	[tilespmem:$0x1E800] =	vst v63  }
0x91: {  	_ =	swait.ge [sflag:s22], $0x4000  }
0x92: {  	s29 =	smov.u32 s31;
	s28 =	sshra.s32 s30, $0x2;
	[sflag:s22] =	ssyncset.done $0x0  }
0x93: {  	s0 =	sadd.s32 $0x80, s28;
	[sflag:s22] =	ssyncadd.s32 $0xFFFFC000  }
0x94: {  	[tilespmem:s21], [sflag:$0x2] =	stream.indirect.gather [hbm4b:s2+s19], $0x80, s0, s19, $0xb8;
	[tilespmem:$0x1E800] =	vst v63  }
0x95: {  	_ =	swait.ge [sflag:s17], $0x4000  }
0x96: {  	[sflag:s17] =	ssyncset.done $0x0  }
0x97: {  	s31 =	sadd.s32 $0x1400, s28;
	[sflag:s17] =	ssyncadd.s32 $0xFFFFC000  }
0x98: {  	[spmem:s3] =	stream.indirect.scatter.add.f32 [tilespmem:s20], [sflag:$0x4], $0x80, s31, s19, $0xb8;
	[tilespmem:$0x1E800] =	vst v63  }
0x99: {  	_ =	swait.ge [sflag:s22], $0x4000  }
0x9a: {  	[sflag:s22] =	ssyncset.done $0x0  }
0x9b: {  	s29 =	sadd.s32 $0x100, s28;
	[sflag:s22] =	ssyncadd.s32 $0xFFFFC000  }
0x9c: {  	[tilespmem:s20], [sflag:$0x1] =	stream.indirect.gather [hbm4b:s2+s19], $0x80, s29, s19, $0xb8;
	[tilespmem:$0x1E800] =	vst v63  }
0x9d: {  	_ =	swait.ge [sflag:s18], $0x4000  }
0x9e: {  	[sflag:s18] =	ssyncset.done $0x0  }
0x9f: {  	s30 =	sadd.s32 $0x1480, s28;
	[sflag:s18] =	ssyncadd.s32 $0xFFFFC000  }
0xa0: {  	[spmem:s3] =	stream.indirect.scatter.add.f32 [tilespmem:s21], [sflag:$0x4], $0x80, s30, s19, $0xb8;
	[tilespmem:$0x1E800] =	vst v63  }
0xa1: {  	_ =	swait.ge [sflag:s22], $0x4000  }
0xa2: {  	[sflag:s22] =	ssyncset.done $0x0  }
0xa3: {  	[sflag:s22] =	ssyncadd.s32 $0xFFFFC000  }
0xa4: {  	[tilespmem:s21], [sflag:$0x2] =	stream.indirect.gather [hbm4b:s2+s19], $0x80, s23, s19, $0xb8;
	[tilespmem:$0x1E800] =	vst v63  }
0xa5: {  	_ =	swait.ge [sflag:s17], $0x4000  }
0xa6: {  	[sflag:s17] =	ssyncset.done $0x0  }
0xa7: {  	[sflag:s17] =	ssyncadd.s32 $0xFFFFC000  }
0xa8: {  	[spmem:s3] =	stream.indirect.scatter.add.f32 [tilespmem:s20], [sflag:$0x4], $0x80, s24, s19, $0xb8;
	[tilespmem:$0x1E800] =	vst v63  }
0xa9: {  	_ =	swait.ge [sflag:s22], $0x4000  }
0xaa: {  	[sflag:s22] =	ssyncset.done $0x0  }
0xab: {  	[sflag:s22] =	ssyncadd.s32 $0xFFFFC000  }
0xac: {  	[tilespmem:s20], [sflag:$0x1] =	stream.indirect.gather [hbm4b:s2+s19], $0x80, s23, s19, $0xb8;
	[tilespmem:$0x1E800] =	vst v63  }
0xad: {  	_ =	swait.ge [sflag:s18], $0x4000  }
0xae: {  	[sflag:s18] =	ssyncset.done $0x0  }
0xaf: {  	[sflag:s18] =	ssyncadd.s32 $0xFFFFC000  }
0xb0: {  	[spmem:s3] =	stream.indirect.scatter.add.f32 [tilespmem:s21], [sflag:$0x4], $0x80, s25, s19, $0xb8;
	[tilespmem:$0x1E800] =	vst v63  }
0xb1: {  	_ =	swait.ge [sflag:s22], $0x4000  }
0xb2: {  	[sflag:s22] =	ssyncset.done $0x0  }
0xb3: {  	[sflag:s22] =	ssyncadd.s32 $0xFFFFC000  }
0xb4: {  	_ =	swait.ge [sflag:s17], $0x4000  }
0xb5: {  	s26 =	sadd.s32 $0x1, s26;
	[sflag:s17] =	ssyncset.done $0x0  }
0xb6: {  	p0 =	sne.s32 s26, s13;
	[sflag:s17] =	ssyncadd.s32 $0xFFFFC000  }
.Ltmp2:
0xb7: {  	s31 =	sor.u32 $0x1C04, s6;
	[bflag:$0x0] =	sbarrier.arrive $0xFFFF;
	(pc) =	sbr.rel @p0 .LBB2_1-.Ltmp2, $4  }
0xb8: {  	[hbm:s12], [sflag:s31] =	dma.local [spmem:s14], $0x2800  }
0xb9: {  	_ =	swait.ge [sflag:s22], $0x2800  }
0xba: {  	[sflag:s22] =	ssyncset.done $0x0  }
0xbb: {  	[sflag:s22] =	ssyncadd.s32 $0xFFFFD800  }
0xbc: {  	_ =	sfence.sel $0x180000  }
0xbd: {  	[bflag:$0x0] =	sbarrier.arrive $0xFFFF  }
0xbe: {  	_ =	strace $0x9000004A  }
0xbf: {  	[bflag:$0x2] =	sbarrier.arrive $0xFFFF  }
0xc0: {  	p0 =	sne.s32 s1, $0x0;
	s0 =	rddreg [dreg:$0x3]  }
0xc1: {  	s0 =	sadd.s32 @!p0 $0x100000, s0  }
0xc2: {  	[sflag:s0] =	ssyncadd.tile.s32 @!p0 $0x1;
	_ =	shalt  }
.Lfunc_end2:
_tile_overlayer_lowered:
.L_overlay_start_2:
0xc3: {  	(tag) =	ssettag $0x2  }
0xc4: {  	s0 =	rddreg [dreg:$0x0];
	s2 =	stileid.u32  }
0xc5: {  	s1 =	rddreg [dreg:$0x1];
	p0 =	sne.s32 s2, $0x0  }
0xc6: {  	s3 =	rddreg [dreg:$0x2];
	[bflag:$0x3] =	sbarrier.arrive $0xFFFF;
	s2 =	simm.s32 @!p0 $0x1C04  }
0xc7: {  	[timem:s3], [sflag:s2] =	dma.local @!p0 [hbm:s0], s1  }
0xc8: {  	s0 =	simm.s32 @!p0 $0x4  }
0xc9: {  	_ =	swait.ge @!p0 [sflag:s0], s1  }
0xca: {  	s1 =	ssub.s32 @!p0 $0x0, s1;
	[sflag:s0] =	ssyncset.done @!p0 $0x0  }
0xcb: {  	[sflag:s0] =	ssyncadd.s32 @!p0 s1  }
0xcc: {  	[bflag:$0x3] =	sbarrier.arrive $0xFFFF  }
0xcd: {  	_ =	shalt  }

</sc_bundles>
